<compile_context>
chip_gen: v7x
topology: tpu7x:2x2x1
jax: 0.10.2.dev20260603
libtpu: 0.0.44.dev20260713+nightly
codegen_flags: <defaults>
</compile_context>

<pallas_src>
import functools

import jax
import jax.numpy as jnp
from jax import lax
from jax.experimental import pallas as pl
from jax.experimental.pallas import tpu as pltpu
from jax.experimental.pallas import tpu_sc as plsc

_LANES = 16


def _fmt(tablet):
    D, V = tablet.shape
    blk = 16384

    def body(t_ref, o_ref):
        eye = jnp.eye(D, 128, dtype=jnp.float32)
        o_ref[...] = lax.dot_general(
            t_ref[...], eye, (((0,), (0,)), ((), ())),
            preferred_element_type=jnp.float32)

    return pl.pallas_call(
        body,
        grid=(pl.cdiv(V, blk),),
        in_specs=[pl.BlockSpec((D, blk), lambda i: (0, i))],
        out_specs=pl.BlockSpec((blk, 128), lambda i: (i, 0)),
        out_shape=jax.ShapeDtypeStruct((V, 128), jnp.float32),
    )(tablet)


def _sc_pool(table4, x1d, B, S):
    D = table4.shape[1]
    info = plsc.get_sparse_core_info()
    NC, NS = info.num_cores, info.num_subcores
    NW = NC * NS
    assert B % NW == 0
    BPW = B // NW
    CB = 4
    assert BPW % CB == 0
    NIT = BPW // CB
    assert S % 8 == 0 and (CB * S) % _LANES == 0 and D == 2 * _LANES
    NIV = (CB * S) // _LANES

    mesh = plsc.VectorSubcoreMesh(core_axis_name="c", subcore_axis_name="s",
                                  num_cores=NC, num_subcores=NS)

    @functools.partial(
        pl.kernel,
        out_type=jax.ShapeDtypeStruct((B, D), jnp.float32),
        mesh=mesh,
        compiler_params=pltpu.CompilerParams(use_tc_tiling_on_sc=False),
        scratch_types=[
            pltpu.VMEM((CB * S,), jnp.int32),
            pltpu.VMEM((CB * S, D), jnp.float32),
            pltpu.VMEM((BPW, D), jnp.float32),
            pltpu.SemaphoreType.DMA,
        ],
    )
    def pool(tbl_hbm, x_hbm, out_hbm, idx_v, rows_v, outb_v, sem):
        wid = lax.axis_index("s") * NC + lax.axis_index("c")
        base_b = wid * BPW
        inv = 1.0 / S

        def chunk_body(it, carry):
            row0 = base_b + it * CB
            pltpu.sync_copy(x_hbm.at[pl.ds(row0 * S, CB * S)], idx_v)

            def xform(k, carry2):
                u = idx_v[pl.ds(k * _LANES, _LANES)]
                idx_v[pl.ds(k * _LANES, _LANES)] = u * 4
                return carry2

            lax.fori_loop(0, NIV, xform, 0)
            cps = [
                pltpu.async_copy(tbl_hbm.at[idx_v.at[pl.ds(bi * S, S)]],
                                 rows_v.at[pl.ds(bi * S, S)], sem)
                for bi in range(CB)
            ]
            for cp in cps:
                cp.wait()
            for bi in range(CB):
                rb = bi * S
                for h in range(2):
                    lo = h * _LANES

                    def grp(j, acc):
                        base = rb + j * 8
                        r0 = rows_v[base + 0, pl.ds(lo, _LANES)]
                        r1 = rows_v[base + 1, pl.ds(lo, _LANES)]
                        r2 = rows_v[base + 2, pl.ds(lo, _LANES)]
                        r3 = rows_v[base + 3, pl.ds(lo, _LANES)]
                        r4 = rows_v[base + 4, pl.ds(lo, _LANES)]
                        r5 = rows_v[base + 5, pl.ds(lo, _LANES)]
                        r6 = rows_v[base + 6, pl.ds(lo, _LANES)]
                        r7 = rows_v[base + 7, pl.ds(lo, _LANES)]
                        return acc + (((r0 + r1) + (r2 + r3))
                                      + ((r4 + r5) + (r6 + r7)))

                    acc = lax.fori_loop(0, S // 8, grp,
                                        jnp.zeros((_LANES,), jnp.float32))
                    outb_v[it * CB + bi, pl.ds(lo, _LANES)] = acc * inv
            return carry

        lax.fori_loop(0, NIT, chunk_body, 0)
        pltpu.sync_copy(outb_v, out_hbm.at[pl.ds(base_b, BPW)])

    return pool(table4, x1d)


def _cls_matmul(pooled, wpt, bvec):
    B, D = pooled.shape

    def body(p_ref, w_ref, b_ref, out_ref):
        out_ref[...] = (jnp.dot(p_ref[...], w_ref[...],
                                preferred_element_type=jnp.float32)
                        + b_ref[...])

    return pl.pallas_call(
        body,
        in_specs=[
            pl.BlockSpec((B, D), lambda: (0, 0)),
            pl.BlockSpec((D, _LANES), lambda: (0, 0)),
            pl.BlockSpec((1, _LANES), lambda: (0, 0)),
        ],
        out_specs=pl.BlockSpec((B, _LANES), lambda: (0, 0)),
        out_shape=jax.ShapeDtypeStruct((B, _LANES), jnp.float32),
    )(pooled, wpt, bvec)


def kernel(x, table, W, b):
    B, S = x.shape
    V, D = table.shape
    C = W.shape[0]
    wpt = jnp.zeros((D, _LANES), jnp.float32).at[:, :C].set(W.T)
    bvec = jnp.zeros((1, _LANES), jnp.float32).at[0, :C].set(b)
    table4 = _fmt(jnp.swapaxes(table, 0, 1)).reshape(4 * V, D)
    pooled = _sc_pool(table4, x.astype(jnp.int32).reshape(B * S), B, S)
    logits = _cls_matmul(pooled, wpt, bvec)
    return logits[:, :C]

# --- scband reference (transcript-rebuilt; emitter-appended) ---
"""Pipeline reference for scband-nlpclassifier-45346264711605 (READ-ONLY COPY).

The authoritative reference and input builder live on the scoring server;
editing this copy changes nothing except your own understanding.
"""

import jax, jax.numpy as jnp
import numpy as np

VOCAB = 1000000
EMBED_DIM = 32
NUM_CLASSES = 2
BATCH = 16384
SEQ = 200

def setup_inputs(seed: int = 0) -> dict:
    key = jax.random.key(seed)
    k1, k2, k3, k4 = jax.random.split(key, 4)
    x = jax.random.randint(k1, (BATCH, SEQ), 0, VOCAB, dtype=jnp.int64 if jax.config.jax_enable_x64 else jnp.int32)
    table = jax.random.normal(k2, (VOCAB, EMBED_DIM), dtype=jnp.float32)
    W = jax.random.normal(k3, (NUM_CLASSES, EMBED_DIM), dtype=jnp.float32) * (1.0 / np.sqrt(EMBED_DIM))
    b = jax.random.normal(k4, (NUM_CLASSES,), dtype=jnp.float32) * 0.01
    return {"x": x, "table": table, "W": W, "b": b}

def reference(x, table, W, b):
    # embedding lookup: gather rows of table
    embeds = jnp.take(table, x, axis=0)            # [B, S, D]
    avg_embeds = jnp.mean(embeds, axis=1)          # [B, D]
    logits = avg_embeds @ W.T + b                  # [B, C]
    return logits

if __name__ == "__main__":
    import jax
    _d = setup_inputs()
    print(jax.jit(kernel)(*tuple(_d.values())))

</pallas_src>

<mosaic_0001>
#map = affine_map<(d0, d1) -> (0, 0)>
#map1 = affine_map<(d0, d1) -> (0)>
module attributes {stable_mosaic.version = 14 : i64} {
  func.func @pool(%arg0: i32, %arg1: i32, %arg2: memref<4000000x32xf32, #tpu.memory_space<hbm>>, %arg3: memref<3276800xi32, #tpu.memory_space<hbm>>, %arg4: memref<16384x32xf32, #tpu.memory_space<hbm>>, %arg5: memref<800xi32, #tpu.memory_space<vmem>>, %arg6: memref<800x32xf32, #tpu.memory_space<vmem>>, %arg7: memref<512x32xf32, #tpu.memory_space<vmem>>, %arg8: memref<!tpu.dma_semaphore, #tpu.memory_space<semaphore_mem>>) attributes {dimension_semantics = [#tpu.dimension_semantics<core_parallel>, #tpu.dimension_semantics<subcore_parallel>], iteration_bounds = array<i64: 2, 16>, scalar_prefetch = 0 : i64, scratch_operands = 4 : i64, tpu.core_type = #tpu.core_type<sc_vector_subcore>, window_params = [{transform_indices = #map}, {transform_indices = #map1}, {transform_indices = #map}]} {
    %mul3A = arith.constant 2 : i32
    %mul3A_0 = arith.muli %arg1, %mul3A : i32
    %add3A = arith.addi %mul3A_0, %arg0 : i32
    %mul3A_1 = arith.constant 512 : i32
    %mul3A_2 = arith.muli %add3A, %mul3A_1 : i32
    %scan3A = arith.constant 0 : i32
    %scan3A_3 = arith.constant 0 : i32
    %scan3A_4 = arith.constant 128 : i32
    %scan3A_5 = arith.addi %scan3A_3, %scan3A_4 : i32
    %scan3A_6 = arith.constant 1 : i32
    scf.for %scan3A_8 = %scan3A_3 to %scan3A_5 step %scan3A_6  : i32 {
      %mul3A_9 = arith.constant 4 : i32
      %mul3A_10 = arith.muli %scan3A_8, %mul3A_9 : i32
      %add3A_11 = arith.addi %mul3A_2, %mul3A_10 : i32
      %mul3A_12 = arith.constant 200 : i32
      %mul3A_13 = arith.muli %add3A_11, %mul3A_12 : i32
      "tpu.region"() ({
        %run_scoped3A = tpu.sem_alloc : memref<!tpu.dma_semaphore, #tpu.memory_space<semaphore_mem>>
        %dma_start3A_240 = tpu.memref_slice %arg3[%mul3A_13] : memref<3276800xi32, #tpu.memory_space<hbm>> -> memref<800xi32, #tpu.memory_space<hbm>>
        %dma_start3A_241 = tpu.memref_slice %arg3[%mul3A_13] : memref<3276800xi32, #tpu.memory_space<hbm>> -> memref<800xi32, #tpu.memory_space<hbm>>
        tpu.enqueue_dma source(%dma_start3A_241 : memref<800xi32, #tpu.memory_space<hbm>>) target(%arg5 : memref<800xi32, #tpu.memory_space<vmem>>) target_semaphore(%run_scoped3A : memref<!tpu.dma_semaphore, #tpu.memory_space<semaphore_mem>>)
        %dma_wait3A_242 = tpu.memref_slice %arg3[%mul3A_13] : memref<3276800xi32, #tpu.memory_space<hbm>> -> memref<800xi32, #tpu.memory_space<hbm>>
        %dma_wait3A_243 = tpu.memref_slice %arg3[%mul3A_13] : memref<3276800xi32, #tpu.memory_space<hbm>> -> memref<800xi32, #tpu.memory_space<hbm>>
        tpu.wait_dma2 semaphore(%run_scoped3A : memref<!tpu.dma_semaphore, #tpu.memory_space<semaphore_mem>>) src(%dma_wait3A_243 : memref<800xi32, #tpu.memory_space<hbm>>) dst(%arg5 : memref<800xi32, #tpu.memory_space<vmem>>)
        tpu.yield
      }) : () -> ()
      %scan3A_14 = arith.constant 0 : i32
      %scan3A_15 = arith.constant 0 : i32
      %scan3A_16 = arith.constant 50 : i32
      %scan3A_17 = arith.addi %scan3A_15, %scan3A_16 : i32
      %scan3A_18 = arith.constant 1 : i32
      scf.for %scan3A_240 = %scan3A_15 to %scan3A_17 step %scan3A_18  : i32 {
        %mul3A_241 = arith.constant 16 : i32
        %mul3A_242 = arith.muli %scan3A_240, %mul3A_241 : i32
        %get3A = arith.index_cast %mul3A_242 : i32 to index
        %get3A_243 = tpu.vector_load %arg5[%get3A] {strides = array<i32>} : memref<800xi32, #tpu.memory_space<vmem>>, vector<16xi32>,
        %get3A_244 = vector.shape_cast %get3A_243 : vector<16xi32> to vector<16xi32>
        %mul3A_245 = arith.constant 4 : i32
        %mul3A_246 = vector.broadcast %mul3A_245 : i32 to vector<16xi32>
        %mul3A_247 = arith.muli %get3A_244, %mul3A_246 : vector<16xi32>
        %mul3A_248 = arith.constant 16 : i32
        %mul3A_249 = arith.muli %scan3A_240, %mul3A_248 : i32
        %swap3A_250 = arith.index_cast %mul3A_249 : i32 to index
        %swap3A_251 = tpu.vector_load %arg5[%swap3A_250] {strides = array<i32>} : memref<800xi32, #tpu.memory_space<vmem>>, vector<16xi32>,
        %swap3A_252 = vector.shape_cast %swap3A_251 : vector<16xi32> to vector<16xi32>
        %swap3A_253 = vector.shape_cast %mul3A_247 : vector<16xi32> to vector<16xi32>
        tpu.vector_store %arg5[%swap3A_250], %swap3A_253 {strides = array<i32>} : memref<800xi32, #tpu.memory_space<vmem>>, vector<16xi32>,
      }
      %scan3A_19 = arith.constant 50 : i32
      %dma_start3A = arith.constant 0 : i32
      %dma_start3A_20 = arith.constant 0 : i32
      %dma_start3A_21 = tpu.memref_slice %arg6[%dma_start3A, %dma_start3A_20] : memref<800x32xf32, #tpu.memory_space<vmem>> -> memref<200x32xf32, #tpu.memory_space<vmem>>
      %dma_start3A_22 = arith.constant 0 : i32
      %dma_start3A_23 = tpu.memref_slice %arg5[%dma_start3A_22] : memref<800xi32, #tpu.memory_space<vmem>> -> memref<200xi32, #tpu.memory_space<vmem>>
      %dma_start3A_24 = arith.constant 0 : i32
      %dma_start3A_25 = arith.constant 0 : i32
      %dma_start3A_26 = tpu.memref_slice %arg2[%dma_start3A_24, %dma_start3A_25] : memref<4000000x32xf32, #tpu.memory_space<hbm>> -> memref<4000000x32xf32, #tpu.memory_space<hbm>>
      tpu.enqueue_indirect_dma source(%dma_start3A_26 : memref<4000000x32xf32, #tpu.memory_space<hbm>>) target(%dma_start3A_21 : memref<200x32xf32, #tpu.memory_space<vmem>>) offsets(%dma_start3A_23 : memref<200xi32, #tpu.memory_space<vmem>>) semaphore(%arg8 : memref<!tpu.dma_semaphore, #tpu.memory_space<semaphore_mem>>)
      %dma_start3A_27 = arith.constant 200 : i32
      %dma_start3A_28 = arith.constant 0 : i32
      %dma_start3A_29 = tpu.memref_slice %arg6[%dma_start3A_27, %dma_start3A_28] : memref<800x32xf32, #tpu.memory_space<vmem>> -> memref<200x32xf32, #tpu.memory_space<vmem>>
      %dma_start3A_30 = arith.constant 200 : i32
      %dma_start3A_31 = tpu.memref_slice %arg5[%dma_start3A_30] : memref<800xi32, #tpu.memory_space<vmem>> -> memref<200xi32, #tpu.memory_space<vmem>>
      %dma_start3A_32 = arith.constant 0 : i32
      %dma_start3A_33 = arith.constant 0 : i32
      %dma_start3A_34 = tpu.memref_slice %arg2[%dma_start3A_32, %dma_start3A_33] : memref<4000000x32xf32, #tpu.memory_space<hbm>> -> memref<4000000x32xf32, #tpu.memory_space<hbm>>
      tpu.enqueue_indirect_dma source(%dma_start3A_34 : memref<4000000x32xf32, #tpu.memory_space<hbm>>) target(%dma_start3A_29 : memref<200x32xf32, #tpu.memory_space<vmem>>) offsets(%dma_start3A_31 : memref<200xi32, #tpu.memory_space<vmem>>) semaphore(%arg8 : memref<!tpu.dma_semaphore, #tpu.memory_space<semaphore_mem>>)
      %dma_start3A_35 = arith.constant 400 : i32
      %dma_start3A_36 = arith.constant 0 : i32
      %dma_start3A_37 = tpu.memref_slice %arg6[%dma_start3A_35, %dma_start3A_36] : memref<800x32xf32, #tpu.memory_space<vmem>> -> memref<200x32xf32, #tpu.memory_space<vmem>>
      %dma_start3A_38 = arith.constant 400 : i32
      %dma_start3A_39 = tpu.memref_slice %arg5[%dma_start3A_38] : memref<800xi32, #tpu.memory_space<vmem>> -> memref<200xi32, #tpu.memory_space<vmem>>
      %dma_start3A_40 = arith.constant 0 : i32
      %dma_start3A_41 = arith.constant 0 : i32
      %dma_start3A_42 = tpu.memref_slice %arg2[%dma_start3A_40, %dma_start3A_41] : memref<4000000x32xf32, #tpu.memory_space<hbm>> -> memref<4000000x32xf32, #tpu.memory_space<hbm>>
      tpu.enqueue_indirect_dma source(%dma_start3A_42 : memref<4000000x32xf32, #tpu.memory_space<hbm>>) target(%dma_start3A_37 : memref<200x32xf32, #tpu.memory_space<vmem>>) offsets(%dma_start3A_39 : memref<200xi32, #tpu.memory_space<vmem>>) semaphore(%arg8 : memref<!tpu.dma_semaphore, #tpu.memory_space<semaphore_mem>>)
      %dma_start3A_43 = arith.constant 600 : i32
      %dma_start3A_44 = arith.constant 0 : i32
      %dma_start3A_45 = tpu.memref_slice %arg6[%dma_start3A_43, %dma_start3A_44] : memref<800x32xf32, #tpu.memory_space<vmem>> -> memref<200x32xf32, #tpu.memory_space<vmem>>
      %dma_start3A_46 = arith.constant 600 : i32
      %dma_start3A_47 = tpu.memref_slice %arg5[%dma_start3A_46] : memref<800xi32, #tpu.memory_space<vmem>> -> memref<200xi32, #tpu.memory_space<vmem>>
      %dma_start3A_48 = arith.constant 0 : i32
      %dma_start3A_49 = arith.constant 0 : i32
      %dma_start3A_50 = tpu.memref_slice %arg2[%dma_start3A_48, %dma_start3A_49] : memref<4000000x32xf32, #tpu.memory_space<hbm>> -> memref<4000000x32xf32, #tpu.memory_space<hbm>>
      tpu.enqueue_indirect_dma source(%dma_start3A_50 : memref<4000000x32xf32, #tpu.memory_space<hbm>>) target(%dma_start3A_45 : memref<200x32xf32, #tpu.memory_space<vmem>>) offsets(%dma_start3A_47 : memref<200xi32, #tpu.memory_space<vmem>>) semaphore(%arg8 : memref<!tpu.dma_semaphore, #tpu.memory_space<semaphore_mem>>)
      %dma_wait3A = arith.constant 0 : i32
      %dma_wait3A_51 = arith.constant 0 : i32
      %dma_wait3A_52 = tpu.memref_slice %arg6[%dma_wait3A, %dma_wait3A_51] : memref<800x32xf32, #tpu.memory_space<vmem>> -> memref<200x32xf32, #tpu.memory_space<vmem>>
      %dma_wait3A_53 = arith.constant 0 : i32
      %dma_wait3A_54 = tpu.memref_slice %arg5[%dma_wait3A_53] : memref<800xi32, #tpu.memory_space<vmem>> -> memref<200xi32, #tpu.memory_space<vmem>>
      %dma_wait3A_55 = arith.constant 0 : i32
      %dma_wait3A_56 = arith.constant 0 : i32
      %dma_wait3A_57 = tpu.memref_slice %arg2[%dma_wait3A_55, %dma_wait3A_56] : memref<4000000x32xf32, #tpu.memory_space<hbm>> -> memref<4000000x32xf32, #tpu.memory_space<hbm>>
      tpu.wait_indirect_dma semaphore(%arg8 : memref<!tpu.dma_semaphore, #tpu.memory_space<semaphore_mem>>) src(%dma_wait3A_57 : memref<4000000x32xf32, #tpu.memory_space<hbm>>) dst(%dma_wait3A_52 : memref<200x32xf32, #tpu.memory_space<vmem>>)
      %dma_wait3A_58 = arith.constant 200 : i32
      %dma_wait3A_59 = arith.constant 0 : i32
      %dma_wait3A_60 = tpu.memref_slice %arg6[%dma_wait3A_58, %dma_wait3A_59] : memref<800x32xf32, #tpu.memory_space<vmem>> -> memref<200x32xf32, #tpu.memory_space<vmem>>
      %dma_wait3A_61 = arith.constant 200 : i32
      %dma_wait3A_62 = tpu.memref_slice %arg5[%dma_wait3A_61] : memref<800xi32, #tpu.memory_space<vmem>> -> memref<200xi32, #tpu.memory_space<vmem>>
      %dma_wait3A_63 = arith.constant 0 : i32
      %dma_wait3A_64 = arith.constant 0 : i32
      %dma_wait3A_65 = tpu.memref_slice %arg2[%dma_wait3A_63, %dma_wait3A_64] : memref<4000000x32xf32, #tpu.memory_space<hbm>> -> memref<4000000x32xf32, #tpu.memory_space<hbm>>
      tpu.wait_indirect_dma semaphore(%arg8 : memref<!tpu.dma_semaphore, #tpu.memory_space<semaphore_mem>>) src(%dma_wait3A_65 : memref<4000000x32xf32, #tpu.memory_space<hbm>>) dst(%dma_wait3A_60 : memref<200x32xf32, #tpu.memory_space<vmem>>)
      %dma_wait3A_66 = arith.constant 400 : i32
      %dma_wait3A_67 = arith.constant 0 : i32
      %dma_wait3A_68 = tpu.memref_slice %arg6[%dma_wait3A_66, %dma_wait3A_67] : memref<800x32xf32, #tpu.memory_space<vmem>> -> memref<200x32xf32, #tpu.memory_space<vmem>>
      %dma_wait3A_69 = arith.constant 400 : i32
      %dma_wait3A_70 = tpu.memref_slice %arg5[%dma_wait3A_69] : memref<800xi32, #tpu.memory_space<vmem>> -> memref<200xi32, #tpu.memory_space<vmem>>
      %dma_wait3A_71 = arith.constant 0 : i32
      %dma_wait3A_72 = arith.constant 0 : i32
      %dma_wait3A_73 = tpu.memref_slice %arg2[%dma_wait3A_71, %dma_wait3A_72] : memref<4000000x32xf32, #tpu.memory_space<hbm>> -> memref<4000000x32xf32, #tpu.memory_space<hbm>>
      tpu.wait_indirect_dma semaphore(%arg8 : memref<!tpu.dma_semaphore, #tpu.memory_space<semaphore_mem>>) src(%dma_wait3A_73 : memref<4000000x32xf32, #tpu.memory_space<hbm>>) dst(%dma_wait3A_68 : memref<200x32xf32, #tpu.memory_space<vmem>>)
      %dma_wait3A_74 = arith.constant 600 : i32
      %dma_wait3A_75 = arith.constant 0 : i32
      %dma_wait3A_76 = tpu.memref_slice %arg6[%dma_wait3A_74, %dma_wait3A_75] : memref<800x32xf32, #tpu.memory_space<vmem>> -> memref<200x32xf32, #tpu.memory_space<vmem>>
      %dma_wait3A_77 = arith.constant 600 : i32
      %dma_wait3A_78 = tpu.memref_slice %arg5[%dma_wait3A_77] : memref<800xi32, #tpu.memory_space<vmem>> -> memref<200xi32, #tpu.memory_space<vmem>>
      %dma_wait3A_79 = arith.constant 0 : i32
      %dma_wait3A_80 = arith.constant 0 : i32
      %dma_wait3A_81 = tpu.memref_slice %arg2[%dma_wait3A_79, %dma_wait3A_80] : memref<4000000x32xf32, #tpu.memory_space<hbm>> -> memref<4000000x32xf32, #tpu.memory_space<hbm>>
      tpu.wait_indirect_dma semaphore(%arg8 : memref<!tpu.dma_semaphore, #tpu.memory_space<semaphore_mem>>) src(%dma_wait3A_81 : memref<4000000x32xf32, #tpu.memory_space<hbm>>) dst(%dma_wait3A_76 : memref<200x32xf32, #tpu.memory_space<vmem>>)
      %broadcast_in_dim3A = arith.constant 0.000000e+00 : f32
      %broadcast_in_dim3A_82 = vector.broadcast %broadcast_in_dim3A : f32 to vector<16xf32>
      %scan3A_83 = arith.constant 0 : i32
      %scan3A_84 = arith.constant 25 : i32
      %scan3A_85 = arith.addi %scan3A_83, %scan3A_84 : i32
      %scan3A_86 = arith.constant 1 : i32
      %scan3A_87 = scf.for %scan3A_240 = %scan3A_83 to %scan3A_85 step %scan3A_86 iter_args(%scan3A_241 = %broadcast_in_dim3A_82) -> (vector<16xf32>)  : i32 {
        %mul3A_242 = arith.constant 8 : i32
        %mul3A_243 = arith.muli %scan3A_240, %mul3A_242 : i32
        %add3A_244 = arith.constant 0 : i32
        %add3A_245 = arith.addi %add3A_244, %mul3A_243 : i32
        %add3A_246 = arith.constant 0 : i32
        %add3A_247 = arith.addi %add3A_245, %add3A_246 : i32
        %get3A = arith.index_cast %add3A_247 : i32 to index
        %get3A_248 = arith.constant 0 : index
        %get3A_249 = tpu.vector_load %arg6[%get3A, %get3A_248] {strides = array<i32>} : memref<800x32xf32, #tpu.memory_space<vmem>>, vector<1x16xf32>,
        %get3A_250 = vector.shape_cast %get3A_249 : vector<1x16xf32> to vector<16xf32>
        %add3A_251 = arith.constant 1 : i32
        %add3A_252 = arith.addi %add3A_245, %add3A_251 : i32
        %get3A_253 = arith.index_cast %add3A_252 : i32 to index
        %get3A_254 = arith.constant 0 : index
        %get3A_255 = tpu.vector_load %arg6[%get3A_253, %get3A_254] {strides = array<i32>} : memref<800x32xf32, #tpu.memory_space<vmem>>, vector<1x16xf32>,
        %get3A_256 = vector.shape_cast %get3A_255 : vector<1x16xf32> to vector<16xf32>
        %add3A_257 = arith.constant 2 : i32
        %add3A_258 = arith.addi %add3A_245, %add3A_257 : i32
        %get3A_259 = arith.index_cast %add3A_258 : i32 to index
        %get3A_260 = arith.constant 0 : index
        %get3A_261 = tpu.vector_load %arg6[%get3A_259, %get3A_260] {strides = array<i32>} : memref<800x32xf32, #tpu.memory_space<vmem>>, vector<1x16xf32>,
        %get3A_262 = vector.shape_cast %get3A_261 : vector<1x16xf32> to vector<16xf32>
        %add3A_263 = arith.constant 3 : i32
        %add3A_264 = arith.addi %add3A_245, %add3A_263 : i32
        %get3A_265 = arith.index_cast %add3A_264 : i32 to index
        %get3A_266 = arith.constant 0 : index
        %get3A_267 = tpu.vector_load %arg6[%get3A_265, %get3A_266] {strides = array<i32>} : memref<800x32xf32, #tpu.memory_space<vmem>>, vector<1x16xf32>,
        %get3A_268 = vector.shape_cast %get3A_267 : vector<1x16xf32> to vector<16xf32>
        %add3A_269 = arith.constant 4 : i32
        %add3A_270 = arith.addi %add3A_245, %add3A_269 : i32
        %get3A_271 = arith.index_cast %add3A_270 : i32 to index
        %get3A_272 = arith.constant 0 : index
        %get3A_273 = tpu.vector_load %arg6[%get3A_271, %get3A_272] {strides = array<i32>} : memref<800x32xf32, #tpu.memory_space<vmem>>, vector<1x16xf32>,
        %get3A_274 = vector.shape_cast %get3A_273 : vector<1x16xf32> to vector<16xf32>
        %add3A_275 = arith.constant 5 : i32
        %add3A_276 = arith.addi %add3A_245, %add3A_275 : i32
        %get3A_277 = arith.index_cast %add3A_276 : i32 to index
        %get3A_278 = arith.constant 0 : index
        %get3A_279 = tpu.vector_load %arg6[%get3A_277, %get3A_278] {strides = array<i32>} : memref<800x32xf32, #tpu.memory_space<vmem>>, vector<1x16xf32>,
        %get3A_280 = vector.shape_cast %get3A_279 : vector<1x16xf32> to vector<16xf32>
        %add3A_281 = arith.constant 6 : i32
        %add3A_282 = arith.addi %add3A_245, %add3A_281 : i32
        %get3A_283 = arith.index_cast %add3A_282 : i32 to index
        %get3A_284 = arith.constant 0 : index
        %get3A_285 = tpu.vector_load %arg6[%get3A_283, %get3A_284] {strides = array<i32>} : memref<800x32xf32, #tpu.memory_space<vmem>>, vector<1x16xf32>,
        %get3A_286 = vector.shape_cast %get3A_285 : vector<1x16xf32> to vector<16xf32>
        %add3A_287 = arith.constant 7 : i32
        %add3A_288 = arith.addi %add3A_245, %add3A_287 : i32
        %get3A_289 = arith.index_cast %add3A_288 : i32 to index
        %get3A_290 = arith.constant 0 : index
        %get3A_291 = tpu.vector_load %arg6[%get3A_289, %get3A_290] {strides = array<i32>} : memref<800x32xf32, #tpu.memory_space<vmem>>, vector<1x16xf32>,
        %get3A_292 = vector.shape_cast %get3A_291 : vector<1x16xf32> to vector<16xf32>
        %add3A_293 = arith.addf %get3A_250, %get3A_256 : vector<16xf32>
        %add3A_294 = arith.addf %get3A_262, %get3A_268 : vector<16xf32>
        %add3A_295 = arith.addf %add3A_293, %add3A_294 : vector<16xf32>
        %add3A_296 = arith.addf %get3A_274, %get3A_280 : vector<16xf32>
        %add3A_297 = arith.addf %get3A_286, %get3A_292 : vector<16xf32>
        %add3A_298 = arith.addf %add3A_296, %add3A_297 : vector<16xf32>
        %add3A_299 = arith.addf %add3A_295, %add3A_298 : vector<16xf32>
        %add3A_300 = arith.addf %scan3A_241, %add3A_299 : vector<16xf32>
        scf.yield %add3A_300 : vector<16xf32>
      }
      %scan3A_88 = arith.constant 25 : i32
      %mul3A_89 = arith.constant 5.000000e-03 : f32
      %mul3A_90 = vector.broadcast %mul3A_89 : f32 to vector<16xf32>
      %mul3A_91 = arith.mulf %scan3A_87, %mul3A_90 : vector<16xf32>
      %mul3A_92 = arith.constant 4 : i32
      %mul3A_93 = arith.muli %scan3A_8, %mul3A_92 : i32
      %add3A_94 = arith.constant 0 : i32
      %add3A_95 = arith.addi %mul3A_93, %add3A_94 : i32
      %swap3A = arith.index_cast %add3A_95 : i32 to index
      %swap3A_96 = arith.constant 0 : index
      %swap3A_97 = tpu.vector_load %arg7[%swap3A, %swap3A_96] {strides = array<i32>} : memref<512x32xf32, #tpu.memory_space<vmem>>, vector<1x16xf32>,
      %swap3A_98 = vector.shape_cast %swap3A_97 : vector<1x16xf32> to vector<16xf32>
      %swap3A_99 = vector.shape_cast %mul3A_91 : vector<16xf32> to vector<1x16xf32>
      tpu.vector_store %arg7[%swap3A, %swap3A_96], %swap3A_99 {strides = array<i32>} : memref<512x32xf32, #tpu.memory_space<vmem>>, vector<1x16xf32>,
      %broadcast_in_dim3A_100 = arith.constant 0.000000e+00 : f32
      %broadcast_in_dim3A_101 = vector.broadcast %broadcast_in_dim3A_100 : f32 to vector<16xf32>
      %scan3A_102 = arith.constant 0 : i32
      %scan3A_103 = arith.constant 25 : i32
      %scan3A_104 = arith.addi %scan3A_102, %scan3A_103 : i32
      %scan3A_105 = arith.constant 1 : i32
      %scan3A_106 = scf.for %scan3A_240 = %scan3A_102 to %scan3A_104 step %scan3A_105 iter_args(%scan3A_241 = %broadcast_in_dim3A_101) -> (vector<16xf32>)  : i32 {
        %mul3A_242 = arith.constant 8 : i32
        %mul3A_243 = arith.muli %scan3A_240, %mul3A_242 : i32
        %add3A_244 = arith.constant 0 : i32
        %add3A_245 = arith.addi %add3A_244, %mul3A_243 : i32
        %add3A_246 = arith.constant 0 : i32
        %add3A_247 = arith.addi %add3A_245, %add3A_246 : i32
        %get3A = arith.index_cast %add3A_247 : i32 to index
        %get3A_248 = arith.constant 16 : index
        %get3A_249 = tpu.vector_load %arg6[%get3A, %get3A_248] {strides = array<i32>} : memref<800x32xf32, #tpu.memory_space<vmem>>, vector<1x16xf32>,
        %get3A_250 = vector.shape_cast %get3A_249 : vector<1x16xf32> to vector<16xf32>
        %add3A_251 = arith.constant 1 : i32
        %add3A_252 = arith.addi %add3A_245, %add3A_251 : i32
        %get3A_253 = arith.index_cast %add3A_252 : i32 to index
        %get3A_254 = arith.constant 16 : index
        %get3A_255 = tpu.vector_load %arg6[%get3A_253, %get3A_254] {strides = array<i32>} : memref<800x32xf32, #tpu.memory_space<vmem>>, vector<1x16xf32>,
        %get3A_256 = vector.shape_cast %get3A_255 : vector<1x16xf32> to vector<16xf32>
        %add3A_257 = arith.constant 2 : i32
        %add3A_258 = arith.addi %add3A_245, %add3A_257 : i32
        %get3A_259 = arith.index_cast %add3A_258 : i32 to index
        %get3A_260 = arith.constant 16 : index
        %get3A_261 = tpu.vector_load %arg6[%get3A_259, %get3A_260] {strides = array<i32>} : memref<800x32xf32, #tpu.memory_space<vmem>>, vector<1x16xf32>,
        %get3A_262 = vector.shape_cast %get3A_261 : vector<1x16xf32> to vector<16xf32>
        %add3A_263 = arith.constant 3 : i32
        %add3A_264 = arith.addi %add3A_245, %add3A_263 : i32
        %get3A_265 = arith.index_cast %add3A_264 : i32 to index
        %get3A_266 = arith.constant 16 : index
        %get3A_267 = tpu.vector_load %arg6[%get3A_265, %get3A_266] {strides = array<i32>} : memref<800x32xf32, #tpu.memory_space<vmem>>, vector<1x16xf32>,
        %get3A_268 = vector.shape_cast %get3A_267 : vector<1x16xf32> to vector<16xf32>
        %add3A_269 = arith.constant 4 : i32
        %add3A_270 = arith.addi %add3A_245, %add3A_269 : i32
        %get3A_271 = arith.index_cast %add3A_270 : i32 to index
        %get3A_272 = arith.constant 16 : index
        %get3A_273 = tpu.vector_load %arg6[%get3A_271, %get3A_272] {strides = array<i32>} : memref<800x32xf32, #tpu.memory_space<vmem>>, vector<1x16xf32>,
        %get3A_274 = vector.shape_cast %get3A_273 : vector<1x16xf32> to vector<16xf32>
        %add3A_275 = arith.constant 5 : i32
        %add3A_276 = arith.addi %add3A_245, %add3A_275 : i32
        %get3A_277 = arith.index_cast %add3A_276 : i32 to index
        %get3A_278 = arith.constant 16 : index
        %get3A_279 = tpu.vector_load %arg6[%get3A_277, %get3A_278] {strides = array<i32>} : memref<800x32xf32, #tpu.memory_space<vmem>>, vector<1x16xf32>,
        %get3A_280 = vector.shape_cast %get3A_279 : vector<1x16xf32> to vector<16xf32>
        %add3A_281 = arith.constant 6 : i32
        %add3A_282 = arith.addi %add3A_245, %add3A_281 : i32
        %get3A_283 = arith.index_cast %add3A_282 : i32 to index
        %get3A_284 = arith.constant 16 : index
        %get3A_285 = tpu.vector_load %arg6[%get3A_283, %get3A_284] {strides = array<i32>} : memref<800x32xf32, #tpu.memory_space<vmem>>, vector<1x16xf32>,
        %get3A_286 = vector.shape_cast %get3A_285 : vector<1x16xf32> to vector<16xf32>
        %add3A_287 = arith.constant 7 : i32
        %add3A_288 = arith.addi %add3A_245, %add3A_287 : i32
        %get3A_289 = arith.index_cast %add3A_288 : i32 to index
        %get3A_290 = arith.constant 16 : index
        %get3A_291 = tpu.vector_load %arg6[%get3A_289, %get3A_290] {strides = array<i32>} : memref<800x32xf32, #tpu.memory_space<vmem>>, vector<1x16xf32>,
        %get3A_292 = vector.shape_cast %get3A_291 : vector<1x16xf32> to vector<16xf32>
        %add3A_293 = arith.addf %get3A_250, %get3A_256 : vector<16xf32>
        %add3A_294 = arith.addf %get3A_262, %get3A_268 : vector<16xf32>
        %add3A_295 = arith.addf %add3A_293, %add3A_294 : vector<16xf32>
        %add3A_296 = arith.addf %get3A_274, %get3A_280 : vector<16xf32>
        %add3A_297 = arith.addf %get3A_286, %get3A_292 : vector<16xf32>
        %add3A_298 = arith.addf %add3A_296, %add3A_297 : vector<16xf32>
        %add3A_299 = arith.addf %add3A_295, %add3A_298 : vector<16xf32>
        %add3A_300 = arith.addf %scan3A_241, %add3A_299 : vector<16xf32>
        scf.yield %add3A_300 : vector<16xf32>
      }
      %scan3A_107 = arith.constant 25 : i32
      %mul3A_108 = arith.constant 5.000000e-03 : f32
      %mul3A_109 = vector.broadcast %mul3A_108 : f32 to vector<16xf32>
      %mul3A_110 = arith.mulf %scan3A_106, %mul3A_109 : vector<16xf32>
      %mul3A_111 = arith.constant 4 : i32
      %mul3A_112 = arith.muli %scan3A_8, %mul3A_111 : i32
      %add3A_113 = arith.constant 0 : i32
      %add3A_114 = arith.addi %mul3A_112, %add3A_113 : i32
      %swap3A_115 = arith.index_cast %add3A_114 : i32 to index
      %swap3A_116 = arith.constant 16 : index
      %swap3A_117 = tpu.vector_load %arg7[%swap3A_115, %swap3A_116] {strides = array<i32>} : memref<512x32xf32, #tpu.memory_space<vmem>>, vector<1x16xf32>,
      %swap3A_118 = vector.shape_cast %swap3A_117 : vector<1x16xf32> to vector<16xf32>
      %swap3A_119 = vector.shape_cast %mul3A_110 : vector<16xf32> to vector<1x16xf32>
      tpu.vector_store %arg7[%swap3A_115, %swap3A_116], %swap3A_119 {strides = array<i32>} : memref<512x32xf32, #tpu.memory_space<vmem>>, vector<1x16xf32>,
      %broadcast_in_dim3A_120 = arith.constant 0.000000e+00 : f32
      %broadcast_in_dim3A_121 = vector.broadcast %broadcast_in_dim3A_120 : f32 to vector<16xf32>
      %scan3A_122 = arith.constant 0 : i32
      %scan3A_123 = arith.constant 25 : i32
      %scan3A_124 = arith.addi %scan3A_122, %scan3A_123 : i32
      %scan3A_125 = arith.constant 1 : i32
      %scan3A_126 = scf.for %scan3A_240 = %scan3A_122 to %scan3A_124 step %scan3A_125 iter_args(%scan3A_241 = %broadcast_in_dim3A_121) -> (vector<16xf32>)  : i32 {
        %mul3A_242 = arith.constant 8 : i32
        %mul3A_243 = arith.muli %scan3A_240, %mul3A_242 : i32
        %add3A_244 = arith.constant 200 : i32
        %add3A_245 = arith.addi %add3A_244, %mul3A_243 : i32
        %add3A_246 = arith.constant 0 : i32
        %add3A_247 = arith.addi %add3A_245, %add3A_246 : i32
        %get3A = arith.index_cast %add3A_247 : i32 to index
        %get3A_248 = arith.constant 0 : index
        %get3A_249 = tpu.vector_load %arg6[%get3A, %get3A_248] {strides = array<i32>} : memref<800x32xf32, #tpu.memory_space<vmem>>, vector<1x16xf32>,
        %get3A_250 = vector.shape_cast %get3A_249 : vector<1x16xf32> to vector<16xf32>
        %add3A_251 = arith.constant 1 : i32
        %add3A_252 = arith.addi %add3A_245, %add3A_251 : i32
        %get3A_253 = arith.index_cast %add3A_252 : i32 to index
        %get3A_254 = arith.constant 0 : index
        %get3A_255 = tpu.vector_load %arg6[%get3A_253, %get3A_254] {strides = array<i32>} : memref<800x32xf32, #tpu.memory_space<vmem>>, vector<1x16xf32>,
        %get3A_256 = vector.shape_cast %get3A_255 : vector<1x16xf32> to vector<16xf32>
        %add3A_257 = arith.constant 2 : i32
        %add3A_258 = arith.addi %add3A_245, %add3A_257 : i32
        %get3A_259 = arith.index_cast %add3A_258 : i32 to index
        %get3A_260 = arith.constant 0 : index
        %get3A_261 = tpu.vector_load %arg6[%get3A_259, %get3A_260] {strides = array<i32>} : memref<800x32xf32, #tpu.memory_space<vmem>>, vector<1x16xf32>,
        %get3A_262 = vector.shape_cast %get3A_261 : vector<1x16xf32> to vector<16xf32>
        %add3A_263 = arith.constant 3 : i32
        %add3A_264 = arith.addi %add3A_245, %add3A_263 : i32
        %get3A_265 = arith.index_cast %add3A_264 : i32 to index
        %get3A_266 = arith.constant 0 : index
        %get3A_267 = tpu.vector_load %arg6[%get3A_265, %get3A_266] {strides = array<i32>} : memref<800x32xf32, #tpu.memory_space<vmem>>, vector<1x16xf32>,
        %get3A_268 = vector.shape_cast %get3A_267 : vector<1x16xf32> to vector<16xf32>
        %add3A_269 = arith.constant 4 : i32
        %add3A_270 = arith.addi %add3A_245, %add3A_269 : i32
        %get3A_271 = arith.index_cast %add3A_270 : i32 to index
        %get3A_272 = arith.constant 0 : index
        %get3A_273 = tpu.vector_load %arg6[%get3A_271, %get3A_272] {strides = array<i32>} : memref<800x32xf32, #tpu.memory_space<vmem>>, vector<1x16xf32>,
        %get3A_274 = vector.shape_cast %get3A_273 : vector<1x16xf32> to vector<16xf32>
        %add3A_275 = arith.constant 5 : i32
        %add3A_276 = arith.addi %add3A_245, %add3A_275 : i32
        %get3A_277 = arith.index_cast %add3A_276 : i32 to index
        %get3A_278 = arith.constant 0 : index
        %get3A_279 = tpu.vector_load %arg6[%get3A_277, %get3A_278] {strides = array<i32>} : memref<800x32xf32, #tpu.memory_space<vmem>>, vector<1x16xf32>,
        %get3A_280 = vector.shape_cast %get3A_279 : vector<1x16xf32> to vector<16xf32>
        %add3A_281 = arith.constant 6 : i32
        %add3A_282 = arith.addi %add3A_245, %add3A_281 : i32
        %get3A_283 = arith.index_cast %add3A_282 : i32 to index
        %get3A_284 = arith.constant 0 : index
        %get3A_285 = tpu.vector_load %arg6[%get3A_283, %get3A_284] {strides = array<i32>} : memref<800x32xf32, #tpu.memory_space<vmem>>, vector<1x16xf32>,
        %get3A_286 = vector.shape_cast %get3A_285 : vector<1x16xf32> to vector<16xf32>
        %add3A_287 = arith.constant 7 : i32
        %add3A_288 = arith.addi %add3A_245, %add3A_287 : i32
        %get3A_289 = arith.index_cast %add3A_288 : i32 to index
        %get3A_290 = arith.constant 0 : index
        %get3A_291 = tpu.vector_load %arg6[%get3A_289, %get3A_290] {strides = array<i32>} : memref<800x32xf32, #tpu.memory_space<vmem>>, vector<1x16xf32>,
        %get3A_292 = vector.shape_cast %get3A_291 : vector<1x16xf32> to vector<16xf32>
        %add3A_293 = arith.addf %get3A_250, %get3A_256 : vector<16xf32>
        %add3A_294 = arith.addf %get3A_262, %get3A_268 : vector<16xf32>
        %add3A_295 = arith.addf %add3A_293, %add3A_294 : vector<16xf32>
        %add3A_296 = arith.addf %get3A_274, %get3A_280 : vector<16xf32>
        %add3A_297 = arith.addf %get3A_286, %get3A_292 : vector<16xf32>
        %add3A_298 = arith.addf %add3A_296, %add3A_297 : vector<16xf32>
        %add3A_299 = arith.addf %add3A_295, %add3A_298 : vector<16xf32>
        %add3A_300 = arith.addf %scan3A_241, %add3A_299 : vector<16xf32>
        scf.yield %add3A_300 : vector<16xf32>
      }
      %scan3A_127 = arith.constant 25 : i32
      %mul3A_128 = arith.constant 5.000000e-03 : f32
      %mul3A_129 = vector.broadcast %mul3A_128 : f32 to vector<16xf32>
      %mul3A_130 = arith.mulf %scan3A_126, %mul3A_129 : vector<16xf32>
      %mul3A_131 = arith.constant 4 : i32
      %mul3A_132 = arith.muli %scan3A_8, %mul3A_131 : i32
      %add3A_133 = arith.constant 1 : i32
      %add3A_134 = arith.addi %mul3A_132, %add3A_133 : i32
      %swap3A_135 = arith.index_cast %add3A_134 : i32 to index
      %swap3A_136 = arith.constant 0 : index
      %swap3A_137 = tpu.vector_load %arg7[%swap3A_135, %swap3A_136] {strides = array<i32>} : memref<512x32xf32, #tpu.memory_space<vmem>>, vector<1x16xf32>,
      %swap3A_138 = vector.shape_cast %swap3A_137 : vector<1x16xf32> to vector<16xf32>
      %swap3A_139 = vector.shape_cast %mul3A_130 : vector<16xf32> to vector<1x16xf32>
      tpu.vector_store %arg7[%swap3A_135, %swap3A_136], %swap3A_139 {strides = array<i32>} : memref<512x32xf32, #tpu.memory_space<vmem>>, vector<1x16xf32>,
      %broadcast_in_dim3A_140 = arith.constant 0.000000e+00 : f32
      %broadcast_in_dim3A_141 = vector.broadcast %broadcast_in_dim3A_140 : f32 to vector<16xf32>
      %scan3A_142 = arith.constant 0 : i32
      %scan3A_143 = arith.constant 25 : i32
      %scan3A_144 = arith.addi %scan3A_142, %scan3A_143 : i32
      %scan3A_145 = arith.constant 1 : i32
      %scan3A_146 = scf.for %scan3A_240 = %scan3A_142 to %scan3A_144 step %scan3A_145 iter_args(%scan3A_241 = %broadcast_in_dim3A_141) -> (vector<16xf32>)  : i32 {
        %mul3A_242 = arith.constant 8 : i32
        %mul3A_243 = arith.muli %scan3A_240, %mul3A_242 : i32
        %add3A_244 = arith.constant 200 : i32
        %add3A_245 = arith.addi %add3A_244, %mul3A_243 : i32
        %add3A_246 = arith.constant 0 : i32
        %add3A_247 = arith.addi %add3A_245, %add3A_246 : i32
        %get3A = arith.index_cast %add3A_247 : i32 to index
        %get3A_248 = arith.constant 16 : index
        %get3A_249 = tpu.vector_load %arg6[%get3A, %get3A_248] {strides = array<i32>} : memref<800x32xf32, #tpu.memory_space<vmem>>, vector<1x16xf32>,
        %get3A_250 = vector.shape_cast %get3A_249 : vector<1x16xf32> to vector<16xf32>
        %add3A_251 = arith.constant 1 : i32
        %add3A_252 = arith.addi %add3A_245, %add3A_251 : i32
        %get3A_253 = arith.index_cast %add3A_252 : i32 to index
        %get3A_254 = arith.constant 16 : index
        %get3A_255 = tpu.vector_load %arg6[%get3A_253, %get3A_254] {strides = array<i32>} : memref<800x32xf32, #tpu.memory_space<vmem>>, vector<1x16xf32>,
        %get3A_256 = vector.shape_cast %get3A_255 : vector<1x16xf32> to vector<16xf32>
        %add3A_257 = arith.constant 2 : i32
        %add3A_258 = arith.addi %add3A_245, %add3A_257 : i32
        %get3A_259 = arith.index_cast %add3A_258 : i32 to index
        %get3A_260 = arith.constant 16 : index
        %get3A_261 = tpu.vector_load %arg6[%get3A_259, %get3A_260] {strides = array<i32>} : memref<800x32xf32, #tpu.memory_space<vmem>>, vector<1x16xf32>,
        %get3A_262 = vector.shape_cast %get3A_261 : vector<1x16xf32> to vector<16xf32>
        %add3A_263 = arith.constant 3 : i32
        %add3A_264 = arith.addi %add3A_245, %add3A_263 : i32
        %get3A_265 = arith.index_cast %add3A_264 : i32 to index
        %get3A_266 = arith.constant 16 : index
        %get3A_267 = tpu.vector_load %arg6[%get3A_265, %get3A_266] {strides = array<i32>} : memref<800x32xf32, #tpu.memory_space<vmem>>, vector<1x16xf32>,
        %get3A_268 = vector.shape_cast %get3A_267 : vector<1x16xf32> to vector<16xf32>
        %add3A_269 = arith.constant 4 : i32
        %add3A_270 = arith.addi %add3A_245, %add3A_269 : i32
        %get3A_271 = arith.index_cast %add3A_270 : i32 to index
        %get3A_272 = arith.constant 16 : index
        %get3A_273 = tpu.vector_load %arg6[%get3A_271, %get3A_272] {strides = array<i32>} : memref<800x32xf32, #tpu.memory_space<vmem>>, vector<1x16xf32>,
        %get3A_274 = vector.shape_cast %get3A_273 : vector<1x16xf32> to vector<16xf32>
        %add3A_275 = arith.constant 5 : i32
        %add3A_276 = arith.addi %add3A_245, %add3A_275 : i32
        %get3A_277 = arith.index_cast %add3A_276 : i32 to index
        %get3A_278 = arith.constant 16 : index
        %get3A_279 = tpu.vector_load %arg6[%get3A_277, %get3A_278] {strides = array<i32>} : memref<800x32xf32, #tpu.memory_space<vmem>>, vector<1x16xf32>,
        %get3A_280 = vector.shape_cast %get3A_279 : vector<1x16xf32> to vector<16xf32>
        %add3A_281 = arith.constant 6 : i32
        %add3A_282 = arith.addi %add3A_245, %add3A_281 : i32
        %get3A_283 = arith.index_cast %add3A_282 : i32 to index
        %get3A_284 = arith.constant 16 : index
        %get3A_285 = tpu.vector_load %arg6[%get3A_283, %get3A_284] {strides = array<i32>} : memref<800x32xf32, #tpu.memory_space<vmem>>, vector<1x16xf32>,
        %get3A_286 = vector.shape_cast %get3A_285 : vector<1x16xf32> to vector<16xf32>
        %add3A_287 = arith.constant 7 : i32
        %add3A_288 = arith.addi %add3A_245, %add3A_287 : i32
        %get3A_289 = arith.index_cast %add3A_288 : i32 to index
        %get3A_290 = arith.constant 16 : index
        %get3A_291 = tpu.vector_load %arg6[%get3A_289, %get3A_290] {strides = array<i32>} : memref<800x32xf32, #tpu.memory_space<vmem>>, vector<1x16xf32>,
        %get3A_292 = vector.shape_cast %get3A_291 : vector<1x16xf32> to vector<16xf32>
        %add3A_293 = arith.addf %get3A_250, %get3A_256 : vector<16xf32>
        %add3A_294 = arith.addf %get3A_262, %get3A_268 : vector<16xf32>
        %add3A_295 = arith.addf %add3A_293, %add3A_294 : vector<16xf32>
        %add3A_296 = arith.addf %get3A_274, %get3A_280 : vector<16xf32>
        %add3A_297 = arith.addf %get3A_286, %get3A_292 : vector<16xf32>
        %add3A_298 = arith.addf %add3A_296, %add3A_297 : vector<16xf32>
        %add3A_299 = arith.addf %add3A_295, %add3A_298 : vector<16xf32>
        %add3A_300 = arith.addf %scan3A_241, %add3A_299 : vector<16xf32>
        scf.yield %add3A_300 : vector<16xf32>
      }
      %scan3A_147 = arith.constant 25 : i32
      %mul3A_148 = arith.constant 5.000000e-03 : f32
      %mul3A_149 = vector.broadcast %mul3A_148 : f32 to vector<16xf32>
      %mul3A_150 = arith.mulf %scan3A_146, %mul3A_149 : vector<16xf32>
      %mul3A_151 = arith.constant 4 : i32
      %mul3A_152 = arith.muli %scan3A_8, %mul3A_151 : i32
      %add3A_153 = arith.constant 1 : i32
      %add3A_154 = arith.addi %mul3A_152, %add3A_153 : i32
      %swap3A_155 = arith.index_cast %add3A_154 : i32 to index
      %swap3A_156 = arith.constant 16 : index
      %swap3A_157 = tpu.vector_load %arg7[%swap3A_155, %swap3A_156] {strides = array<i32>} : memref<512x32xf32, #tpu.memory_space<vmem>>, vector<1x16xf32>,
      %swap3A_158 = vector.shape_cast %swap3A_157 : vector<1x16xf32> to vector<16xf32>
      %swap3A_159 = vector.shape_cast %mul3A_150 : vector<16xf32> to vector<1x16xf32>
      tpu.vector_store %arg7[%swap3A_155, %swap3A_156], %swap3A_159 {strides = array<i32>} : memref<512x32xf32, #tpu.memory_space<vmem>>, vector<1x16xf32>,
      %broadcast_in_dim3A_160 = arith.constant 0.000000e+00 : f32
      %broadcast_in_dim3A_161 = vector.broadcast %broadcast_in_dim3A_160 : f32 to vector<16xf32>
      %scan3A_162 = arith.constant 0 : i32
      %scan3A_163 = arith.constant 25 : i32
      %scan3A_164 = arith.addi %scan3A_162, %scan3A_163 : i32
      %scan3A_165 = arith.constant 1 : i32
      %scan3A_166 = scf.for %scan3A_240 = %scan3A_162 to %scan3A_164 step %scan3A_165 iter_args(%scan3A_241 = %broadcast_in_dim3A_161) -> (vector<16xf32>)  : i32 {
        %mul3A_242 = arith.constant 8 : i32
        %mul3A_243 = arith.muli %scan3A_240, %mul3A_242 : i32
        %add3A_244 = arith.constant 400 : i32
        %add3A_245 = arith.addi %add3A_244, %mul3A_243 : i32
        %add3A_246 = arith.constant 0 : i32
        %add3A_247 = arith.addi %add3A_245, %add3A_246 : i32
        %get3A = arith.index_cast %add3A_247 : i32 to index
        %get3A_248 = arith.constant 0 : index
        %get3A_249 = tpu.vector_load %arg6[%get3A, %get3A_248] {strides = array<i32>} : memref<800x32xf32, #tpu.memory_space<vmem>>, vector<1x16xf32>,
        %get3A_250 = vector.shape_cast %get3A_249 : vector<1x16xf32> to vector<16xf32>
        %add3A_251 = arith.constant 1 : i32
        %add3A_252 = arith.addi %add3A_245, %add3A_251 : i32
        %get3A_253 = arith.index_cast %add3A_252 : i32 to index
        %get3A_254 = arith.constant 0 : index
        %get3A_255 = tpu.vector_load %arg6[%get3A_253, %get3A_254] {strides = array<i32>} : memref<800x32xf32, #tpu.memory_space<vmem>>, vector<1x16xf32>,
        %get3A_256 = vector.shape_cast %get3A_255 : vector<1x16xf32> to vector<16xf32>
        %add3A_257 = arith.constant 2 : i32
        %add3A_258 = arith.addi %add3A_245, %add3A_257 : i32
        %get3A_259 = arith.index_cast %add3A_258 : i32 to index
        %get3A_260 = arith.constant 0 : index
        %get3A_261 = tpu.vector_load %arg6[%get3A_259, %get3A_260] {strides = array<i32>} : memref<800x32xf32, #tpu.memory_space<vmem>>, vector<1x16xf32>,
        %get3A_262 = vector.shape_cast %get3A_261 : vector<1x16xf32> to vector<16xf32>
        %add3A_263 = arith.constant 3 : i32
        %add3A_264 = arith.addi %add3A_245, %add3A_263 : i32
        %get3A_265 = arith.index_cast %add3A_264 : i32 to index
        %get3A_266 = arith.constant 0 : index
        %get3A_267 = tpu.vector_load %arg6[%get3A_265, %get3A_266] {strides = array<i32>} : memref<800x32xf32, #tpu.memory_space<vmem>>, vector<1x16xf32>,
        %get3A_268 = vector.shape_cast %get3A_267 : vector<1x16xf32> to vector<16xf32>
        %add3A_269 = arith.constant 4 : i32
        %add3A_270 = arith.addi %add3A_245, %add3A_269 : i32
        %get3A_271 = arith.index_cast %add3A_270 : i32 to index
        %get3A_272 = arith.constant 0 : index
        %get3A_273 = tpu.vector_load %arg6[%get3A_271, %get3A_272] {strides = array<i32>} : memref<800x32xf32, #tpu.memory_space<vmem>>, vector<1x16xf32>,
        %get3A_274 = vector.shape_cast %get3A_273 : vector<1x16xf32> to vector<16xf32>
        %add3A_275 = arith.constant 5 : i32
        %add3A_276 = arith.addi %add3A_245, %add3A_275 : i32
        %get3A_277 = arith.index_cast %add3A_276 : i32 to index
        %get3A_278 = arith.constant 0 : index
        %get3A_279 = tpu.vector_load %arg6[%get3A_277, %get3A_278] {strides = array<i32>} : memref<800x32xf32, #tpu.memory_space<vmem>>, vector<1x16xf32>,
        %get3A_280 = vector.shape_cast %get3A_279 : vector<1x16xf32> to vector<16xf32>
        %add3A_281 = arith.constant 6 : i32
        %add3A_282 = arith.addi %add3A_245, %add3A_281 : i32
        %get3A_283 = arith.index_cast %add3A_282 : i32 to index
        %get3A_284 = arith.constant 0 : index
        %get3A_285 = tpu.vector_load %arg6[%get3A_283, %get3A_284] {strides = array<i32>} : memref<800x32xf32, #tpu.memory_space<vmem>>, vector<1x16xf32>,
        %get3A_286 = vector.shape_cast %get3A_285 : vector<1x16xf32> to vector<16xf32>
        %add3A_287 = arith.constant 7 : i32
        %add3A_288 = arith.addi %add3A_245, %add3A_287 : i32
        %get3A_289 = arith.index_cast %add3A_288 : i32 to index
        %get3A_290 = arith.constant 0 : index
        %get3A_291 = tpu.vector_load %arg6[%get3A_289, %get3A_290] {strides = array<i32>} : memref<800x32xf32, #tpu.memory_space<vmem>>, vector<1x16xf32>,
        %get3A_292 = vector.shape_cast %get3A_291 : vector<1x16xf32> to vector<16xf32>
        %add3A_293 = arith.addf %get3A_250, %get3A_256 : vector<16xf32>
        %add3A_294 = arith.addf %get3A_262, %get3A_268 : vector<16xf32>
        %add3A_295 = arith.addf %add3A_293, %add3A_294 : vector<16xf32>
        %add3A_296 = arith.addf %get3A_274, %get3A_280 : vector<16xf32>
        %add3A_297 = arith.addf %get3A_286, %get3A_292 : vector<16xf32>
        %add3A_298 = arith.addf %add3A_296, %add3A_297 : vector<16xf32>
        %add3A_299 = arith.addf %add3A_295, %add3A_298 : vector<16xf32>
        %add3A_300 = arith.addf %scan3A_241, %add3A_299 : vector<16xf32>
        scf.yield %add3A_300 : vector<16xf32>
      }
      %scan3A_167 = arith.constant 25 : i32
      %mul3A_168 = arith.constant 5.000000e-03 : f32
      %mul3A_169 = vector.broadcast %mul3A_168 : f32 to vector<16xf32>
      %mul3A_170 = arith.mulf %scan3A_166, %mul3A_169 : vector<16xf32>
      %mul3A_171 = arith.constant 4 : i32
      %mul3A_172 = arith.muli %scan3A_8, %mul3A_171 : i32
      %add3A_173 = arith.constant 2 : i32
      %add3A_174 = arith.addi %mul3A_172, %add3A_173 : i32
      %swap3A_175 = arith.index_cast %add3A_174 : i32 to index
      %swap3A_176 = arith.constant 0 : index
      %swap3A_177 = tpu.vector_load %arg7[%swap3A_175, %swap3A_176] {strides = array<i32>} : memref<512x32xf32, #tpu.memory_space<vmem>>, vector<1x16xf32>,
      %swap3A_178 = vector.shape_cast %swap3A_177 : vector<1x16xf32> to vector<16xf32>
      %swap3A_179 = vector.shape_cast %mul3A_170 : vector<16xf32> to vector<1x16xf32>
      tpu.vector_store %arg7[%swap3A_175, %swap3A_176], %swap3A_179 {strides = array<i32>} : memref<512x32xf32, #tpu.memory_space<vmem>>, vector<1x16xf32>,
      %broadcast_in_dim3A_180 = arith.constant 0.000000e+00 : f32
      %broadcast_in_dim3A_181 = vector.broadcast %broadcast_in_dim3A_180 : f32 to vector<16xf32>
      %scan3A_182 = arith.constant 0 : i32
      %scan3A_183 = arith.constant 25 : i32
      %scan3A_184 = arith.addi %scan3A_182, %scan3A_183 : i32
      %scan3A_185 = arith.constant 1 : i32
      %scan3A_186 = scf.for %scan3A_240 = %scan3A_182 to %scan3A_184 step %scan3A_185 iter_args(%scan3A_241 = %broadcast_in_dim3A_181) -> (vector<16xf32>)  : i32 {
        %mul3A_242 = arith.constant 8 : i32
        %mul3A_243 = arith.muli %scan3A_240, %mul3A_242 : i32
        %add3A_244 = arith.constant 400 : i32
        %add3A_245 = arith.addi %add3A_244, %mul3A_243 : i32
        %add3A_246 = arith.constant 0 : i32
        %add3A_247 = arith.addi %add3A_245, %add3A_246 : i32
        %get3A = arith.index_cast %add3A_247 : i32 to index
        %get3A_248 = arith.constant 16 : index
        %get3A_249 = tpu.vector_load %arg6[%get3A, %get3A_248] {strides = array<i32>} : memref<800x32xf32, #tpu.memory_space<vmem>>, vector<1x16xf32>,
        %get3A_250 = vector.shape_cast %get3A_249 : vector<1x16xf32> to vector<16xf32>
        %add3A_251 = arith.constant 1 : i32
        %add3A_252 = arith.addi %add3A_245, %add3A_251 : i32
        %get3A_253 = arith.index_cast %add3A_252 : i32 to index
        %get3A_254 = arith.constant 16 : index
        %get3A_255 = tpu.vector_load %arg6[%get3A_253, %get3A_254] {strides = array<i32>} : memref<800x32xf32, #tpu.memory_space<vmem>>, vector<1x16xf32>,
        %get3A_256 = vector.shape_cast %get3A_255 : vector<1x16xf32> to vector<16xf32>
        %add3A_257 = arith.constant 2 : i32
        %add3A_258 = arith.addi %add3A_245, %add3A_257 : i32
        %get3A_259 = arith.index_cast %add3A_258 : i32 to index
        %get3A_260 = arith.constant 16 : index
        %get3A_261 = tpu.vector_load %arg6[%get3A_259, %get3A_260] {strides = array<i32>} : memref<800x32xf32, #tpu.memory_space<vmem>>, vector<1x16xf32>,
        %get3A_262 = vector.shape_cast %get3A_261 : vector<1x16xf32> to vector<16xf32>
        %add3A_263 = arith.constant 3 : i32
        %add3A_264 = arith.addi %add3A_245, %add3A_263 : i32
        %get3A_265 = arith.index_cast %add3A_264 : i32 to index
        %get3A_266 = arith.constant 16 : index
        %get3A_267 = tpu.vector_load %arg6[%get3A_265, %get3A_266] {strides = array<i32>} : memref<800x32xf32, #tpu.memory_space<vmem>>, vector<1x16xf32>,
        %get3A_268 = vector.shape_cast %get3A_267 : vector<1x16xf32> to vector<16xf32>
        %add3A_269 = arith.constant 4 : i32
        %add3A_270 = arith.addi %add3A_245, %add3A_269 : i32
        %get3A_271 = arith.index_cast %add3A_270 : i32 to index
        %get3A_272 = arith.constant 16 : index
        %get3A_273 = tpu.vector_load %arg6[%get3A_271, %get3A_272] {strides = array<i32>} : memref<800x32xf32, #tpu.memory_space<vmem>>, vector<1x16xf32>,
        %get3A_274 = vector.shape_cast %get3A_273 : vector<1x16xf32> to vector<16xf32>
        %add3A_275 = arith.constant 5 : i32
        %add3A_276 = arith.addi %add3A_245, %add3A_275 : i32
        %get3A_277 = arith.index_cast %add3A_276 : i32 to index
        %get3A_278 = arith.constant 16 : index
        %get3A_279 = tpu.vector_load %arg6[%get3A_277, %get3A_278] {strides = array<i32>} : memref<800x32xf32, #tpu.memory_space<vmem>>, vector<1x16xf32>,
        %get3A_280 = vector.shape_cast %get3A_279 : vector<1x16xf32> to vector<16xf32>
        %add3A_281 = arith.constant 6 : i32
        %add3A_282 = arith.addi %add3A_245, %add3A_281 : i32
        %get3A_283 = arith.index_cast %add3A_282 : i32 to index
        %get3A_284 = arith.constant 16 : index
        %get3A_285 = tpu.vector_load %arg6[%get3A_283, %get3A_284] {strides = array<i32>} : memref<800x32xf32, #tpu.memory_space<vmem>>, vector<1x16xf32>,
        %get3A_286 = vector.shape_cast %get3A_285 : vector<1x16xf32> to vector<16xf32>
        %add3A_287 = arith.constant 7 : i32
        %add3A_288 = arith.addi %add3A_245, %add3A_287 : i32
        %get3A_289 = arith.index_cast %add3A_288 : i32 to index
        %get3A_290 = arith.constant 16 : index
        %get3A_291 = tpu.vector_load %arg6[%get3A_289, %get3A_290] {strides = array<i32>} : memref<800x32xf32, #tpu.memory_space<vmem>>, vector<1x16xf32>,
        %get3A_292 = vector.shape_cast %get3A_291 : vector<1x16xf32> to vector<16xf32>
        %add3A_293 = arith.addf %get3A_250, %get3A_256 : vector<16xf32>
        %add3A_294 = arith.addf %get3A_262, %get3A_268 : vector<16xf32>
        %add3A_295 = arith.addf %add3A_293, %add3A_294 : vector<16xf32>
        %add3A_296 = arith.addf %get3A_274, %get3A_280 : vector<16xf32>
        %add3A_297 = arith.addf %get3A_286, %get3A_292 : vector<16xf32>
        %add3A_298 = arith.addf %add3A_296, %add3A_297 : vector<16xf32>
        %add3A_299 = arith.addf %add3A_295, %add3A_298 : vector<16xf32>
        %add3A_300 = arith.addf %scan3A_241, %add3A_299 : vector<16xf32>
        scf.yield %add3A_300 : vector<16xf32>
      }
      %scan3A_187 = arith.constant 25 : i32
      %mul3A_188 = arith.constant 5.000000e-03 : f32
      %mul3A_189 = vector.broadcast %mul3A_188 : f32 to vector<16xf32>
      %mul3A_190 = arith.mulf %scan3A_186, %mul3A_189 : vector<16xf32>
      %mul3A_191 = arith.constant 4 : i32
      %mul3A_192 = arith.muli %scan3A_8, %mul3A_191 : i32
      %add3A_193 = arith.constant 2 : i32
      %add3A_194 = arith.addi %mul3A_192, %add3A_193 : i32
      %swap3A_195 = arith.index_cast %add3A_194 : i32 to index
      %swap3A_196 = arith.constant 16 : index
      %swap3A_197 = tpu.vector_load %arg7[%swap3A_195, %swap3A_196] {strides = array<i32>} : memref<512x32xf32, #tpu.memory_space<vmem>>, vector<1x16xf32>,
      %swap3A_198 = vector.shape_cast %swap3A_197 : vector<1x16xf32> to vector<16xf32>
      %swap3A_199 = vector.shape_cast %mul3A_190 : vector<16xf32> to vector<1x16xf32>
      tpu.vector_store %arg7[%swap3A_195, %swap3A_196], %swap3A_199 {strides = array<i32>} : memref<512x32xf32, #tpu.memory_space<vmem>>, vector<1x16xf32>,
      %broadcast_in_dim3A_200 = arith.constant 0.000000e+00 : f32
      %broadcast_in_dim3A_201 = vector.broadcast %broadcast_in_dim3A_200 : f32 to vector<16xf32>
      %scan3A_202 = arith.constant 0 : i32
      %scan3A_203 = arith.constant 25 : i32
      %scan3A_204 = arith.addi %scan3A_202, %scan3A_203 : i32
      %scan3A_205 = arith.constant 1 : i32
      %scan3A_206 = scf.for %scan3A_240 = %scan3A_202 to %scan3A_204 step %scan3A_205 iter_args(%scan3A_241 = %broadcast_in_dim3A_201) -> (vector<16xf32>)  : i32 {
        %mul3A_242 = arith.constant 8 : i32
        %mul3A_243 = arith.muli %scan3A_240, %mul3A_242 : i32
        %add3A_244 = arith.constant 600 : i32
        %add3A_245 = arith.addi %add3A_244, %mul3A_243 : i32
        %add3A_246 = arith.constant 0 : i32
        %add3A_247 = arith.addi %add3A_245, %add3A_246 : i32
        %get3A = arith.index_cast %add3A_247 : i32 to index
        %get3A_248 = arith.constant 0 : index
        %get3A_249 = tpu.vector_load %arg6[%get3A, %get3A_248] {strides = array<i32>} : memref<800x32xf32, #tpu.memory_space<vmem>>, vector<1x16xf32>,
        %get3A_250 = vector.shape_cast %get3A_249 : vector<1x16xf32> to vector<16xf32>
        %add3A_251 = arith.constant 1 : i32
        %add3A_252 = arith.addi %add3A_245, %add3A_251 : i32
        %get3A_253 = arith.index_cast %add3A_252 : i32 to index
        %get3A_254 = arith.constant 0 : index
        %get3A_255 = tpu.vector_load %arg6[%get3A_253, %get3A_254] {strides = array<i32>} : memref<800x32xf32, #tpu.memory_space<vmem>>, vector<1x16xf32>,
        %get3A_256 = vector.shape_cast %get3A_255 : vector<1x16xf32> to vector<16xf32>
        %add3A_257 = arith.constant 2 : i32
        %add3A_258 = arith.addi %add3A_245, %add3A_257 : i32
        %get3A_259 = arith.index_cast %add3A_258 : i32 to index
        %get3A_260 = arith.constant 0 : index
        %get3A_261 = tpu.vector_load %arg6[%get3A_259, %get3A_260] {strides = array<i32>} : memref<800x32xf32, #tpu.memory_space<vmem>>, vector<1x16xf32>,
        %get3A_262 = vector.shape_cast %get3A_261 : vector<1x16xf32> to vector<16xf32>
        %add3A_263 = arith.constant 3 : i32
        %add3A_264 = arith.addi %add3A_245, %add3A_263 : i32
        %get3A_265 = arith.index_cast %add3A_264 : i32 to index
        %get3A_266 = arith.constant 0 : index
        %get3A_267 = tpu.vector_load %arg6[%get3A_265, %get3A_266] {strides = array<i32>} : memref<800x32xf32, #tpu.memory_space<vmem>>, vector<1x16xf32>,
        %get3A_268 = vector.shape_cast %get3A_267 : vector<1x16xf32> to vector<16xf32>
        %add3A_269 = arith.constant 4 : i32
        %add3A_270 = arith.addi %add3A_245, %add3A_269 : i32
        %get3A_271 = arith.index_cast %add3A_270 : i32 to index
        %get3A_272 = arith.constant 0 : index
        %get3A_273 = tpu.vector_load %arg6[%get3A_271, %get3A_272] {strides = array<i32>} : memref<800x32xf32, #tpu.memory_space<vmem>>, vector<1x16xf32>,
        %get3A_274 = vector.shape_cast %get3A_273 : vector<1x16xf32> to vector<16xf32>
        %add3A_275 = arith.constant 5 : i32
        %add3A_276 = arith.addi %add3A_245, %add3A_275 : i32
        %get3A_277 = arith.index_cast %add3A_276 : i32 to index
        %get3A_278 = arith.constant 0 : index
        %get3A_279 = tpu.vector_load %arg6[%get3A_277, %get3A_278] {strides = array<i32>} : memref<800x32xf32, #tpu.memory_space<vmem>>, vector<1x16xf32>,
        %get3A_280 = vector.shape_cast %get3A_279 : vector<1x16xf32> to vector<16xf32>
        %add3A_281 = arith.constant 6 : i32
        %add3A_282 = arith.addi %add3A_245, %add3A_281 : i32
        %get3A_283 = arith.index_cast %add3A_282 : i32 to index
        %get3A_284 = arith.constant 0 : index
        %get3A_285 = tpu.vector_load %arg6[%get3A_283, %get3A_284] {strides = array<i32>} : memref<800x32xf32, #tpu.memory_space<vmem>>, vector<1x16xf32>,
        %get3A_286 = vector.shape_cast %get3A_285 : vector<1x16xf32> to vector<16xf32>
        %add3A_287 = arith.constant 7 : i32
        %add3A_288 = arith.addi %add3A_245, %add3A_287 : i32
        %get3A_289 = arith.index_cast %add3A_288 : i32 to index
        %get3A_290 = arith.constant 0 : index
        %get3A_291 = tpu.vector_load %arg6[%get3A_289, %get3A_290] {strides = array<i32>} : memref<800x32xf32, #tpu.memory_space<vmem>>, vector<1x16xf32>,
        %get3A_292 = vector.shape_cast %get3A_291 : vector<1x16xf32> to vector<16xf32>
        %add3A_293 = arith.addf %get3A_250, %get3A_256 : vector<16xf32>
        %add3A_294 = arith.addf %get3A_262, %get3A_268 : vector<16xf32>
        %add3A_295 = arith.addf %add3A_293, %add3A_294 : vector<16xf32>
        %add3A_296 = arith.addf %get3A_274, %get3A_280 : vector<16xf32>
        %add3A_297 = arith.addf %get3A_286, %get3A_292 : vector<16xf32>
        %add3A_298 = arith.addf %add3A_296, %add3A_297 : vector<16xf32>
        %add3A_299 = arith.addf %add3A_295, %add3A_298 : vector<16xf32>
        %add3A_300 = arith.addf %scan3A_241, %add3A_299 : vector<16xf32>
        scf.yield %add3A_300 : vector<16xf32>
      }
      %scan3A_207 = arith.constant 25 : i32
      %mul3A_208 = arith.constant 5.000000e-03 : f32
      %mul3A_209 = vector.broadcast %mul3A_208 : f32 to vector<16xf32>
      %mul3A_210 = arith.mulf %scan3A_206, %mul3A_209 : vector<16xf32>
      %mul3A_211 = arith.constant 4 : i32
      %mul3A_212 = arith.muli %scan3A_8, %mul3A_211 : i32
      %add3A_213 = arith.constant 3 : i32
      %add3A_214 = arith.addi %mul3A_212, %add3A_213 : i32
      %swap3A_215 = arith.index_cast %add3A_214 : i32 to index
      %swap3A_216 = arith.constant 0 : index
      %swap3A_217 = tpu.vector_load %arg7[%swap3A_215, %swap3A_216] {strides = array<i32>} : memref<512x32xf32, #tpu.memory_space<vmem>>, vector<1x16xf32>,
      %swap3A_218 = vector.shape_cast %swap3A_217 : vector<1x16xf32> to vector<16xf32>
      %swap3A_219 = vector.shape_cast %mul3A_210 : vector<16xf32> to vector<1x16xf32>
      tpu.vector_store %arg7[%swap3A_215, %swap3A_216], %swap3A_219 {strides = array<i32>} : memref<512x32xf32, #tpu.memory_space<vmem>>, vector<1x16xf32>,
      %broadcast_in_dim3A_220 = arith.constant 0.000000e+00 : f32
      %broadcast_in_dim3A_221 = vector.broadcast %broadcast_in_dim3A_220 : f32 to vector<16xf32>
      %scan3A_222 = arith.constant 0 : i32
      %scan3A_223 = arith.constant 25 : i32
      %scan3A_224 = arith.addi %scan3A_222, %scan3A_223 : i32
      %scan3A_225 = arith.constant 1 : i32
      %scan3A_226 = scf.for %scan3A_240 = %scan3A_222 to %scan3A_224 step %scan3A_225 iter_args(%scan3A_241 = %broadcast_in_dim3A_221) -> (vector<16xf32>)  : i32 {
        %mul3A_242 = arith.constant 8 : i32
        %mul3A_243 = arith.muli %scan3A_240, %mul3A_242 : i32
        %add3A_244 = arith.constant 600 : i32
        %add3A_245 = arith.addi %add3A_244, %mul3A_243 : i32
        %add3A_246 = arith.constant 0 : i32
        %add3A_247 = arith.addi %add3A_245, %add3A_246 : i32
        %get3A = arith.index_cast %add3A_247 : i32 to index
        %get3A_248 = arith.constant 16 : index
        %get3A_249 = tpu.vector_load %arg6[%get3A, %get3A_248] {strides = array<i32>} : memref<800x32xf32, #tpu.memory_space<vmem>>, vector<1x16xf32>,
        %get3A_250 = vector.shape_cast %get3A_249 : vector<1x16xf32> to vector<16xf32>
        %add3A_251 = arith.constant 1 : i32
        %add3A_252 = arith.addi %add3A_245, %add3A_251 : i32
        %get3A_253 = arith.index_cast %add3A_252 : i32 to index
        %get3A_254 = arith.constant 16 : index
        %get3A_255 = tpu.vector_load %arg6[%get3A_253, %get3A_254] {strides = array<i32>} : memref<800x32xf32, #tpu.memory_space<vmem>>, vector<1x16xf32>,
        %get3A_256 = vector.shape_cast %get3A_255 : vector<1x16xf32> to vector<16xf32>
        %add3A_257 = arith.constant 2 : i32
        %add3A_258 = arith.addi %add3A_245, %add3A_257 : i32
        %get3A_259 = arith.index_cast %add3A_258 : i32 to index
        %get3A_260 = arith.constant 16 : index
        %get3A_261 = tpu.vector_load %arg6[%get3A_259, %get3A_260] {strides = array<i32>} : memref<800x32xf32, #tpu.memory_space<vmem>>, vector<1x16xf32>,
        %get3A_262 = vector.shape_cast %get3A_261 : vector<1x16xf32> to vector<16xf32>
        %add3A_263 = arith.constant 3 : i32
        %add3A_264 = arith.addi %add3A_245, %add3A_263 : i32
        %get3A_265 = arith.index_cast %add3A_264 : i32 to index
        %get3A_266 = arith.constant 16 : index
        %get3A_267 = tpu.vector_load %arg6[%get3A_265, %get3A_266] {strides = array<i32>} : memref<800x32xf32, #tpu.memory_space<vmem>>, vector<1x16xf32>,
        %get3A_268 = vector.shape_cast %get3A_267 : vector<1x16xf32> to vector<16xf32>
        %add3A_269 = arith.constant 4 : i32
        %add3A_270 = arith.addi %add3A_245, %add3A_269 : i32
        %get3A_271 = arith.index_cast %add3A_270 : i32 to index
        %get3A_272 = arith.constant 16 : index
        %get3A_273 = tpu.vector_load %arg6[%get3A_271, %get3A_272] {strides = array<i32>} : memref<800x32xf32, #tpu.memory_space<vmem>>, vector<1x16xf32>,
        %get3A_274 = vector.shape_cast %get3A_273 : vector<1x16xf32> to vector<16xf32>
        %add3A_275 = arith.constant 5 : i32
        %add3A_276 = arith.addi %add3A_245, %add3A_275 : i32
        %get3A_277 = arith.index_cast %add3A_276 : i32 to index
        %get3A_278 = arith.constant 16 : index
        %get3A_279 = tpu.vector_load %arg6[%get3A_277, %get3A_278] {strides = array<i32>} : memref<800x32xf32, #tpu.memory_space<vmem>>, vector<1x16xf32>,
        %get3A_280 = vector.shape_cast %get3A_279 : vector<1x16xf32> to vector<16xf32>
        %add3A_281 = arith.constant 6 : i32
        %add3A_282 = arith.addi %add3A_245, %add3A_281 : i32
        %get3A_283 = arith.index_cast %add3A_282 : i32 to index
        %get3A_284 = arith.constant 16 : index
        %get3A_285 = tpu.vector_load %arg6[%get3A_283, %get3A_284] {strides = array<i32>} : memref<800x32xf32, #tpu.memory_space<vmem>>, vector<1x16xf32>,
        %get3A_286 = vector.shape_cast %get3A_285 : vector<1x16xf32> to vector<16xf32>
        %add3A_287 = arith.constant 7 : i32
        %add3A_288 = arith.addi %add3A_245, %add3A_287 : i32
        %get3A_289 = arith.index_cast %add3A_288 : i32 to index
        %get3A_290 = arith.constant 16 : index
        %get3A_291 = tpu.vector_load %arg6[%get3A_289, %get3A_290] {strides = array<i32>} : memref<800x32xf32, #tpu.memory_space<vmem>>, vector<1x16xf32>,
        %get3A_292 = vector.shape_cast %get3A_291 : vector<1x16xf32> to vector<16xf32>
        %add3A_293 = arith.addf %get3A_250, %get3A_256 : vector<16xf32>
        %add3A_294 = arith.addf %get3A_262, %get3A_268 : vector<16xf32>
        %add3A_295 = arith.addf %add3A_293, %add3A_294 : vector<16xf32>
        %add3A_296 = arith.addf %get3A_274, %get3A_280 : vector<16xf32>
        %add3A_297 = arith.addf %get3A_286, %get3A_292 : vector<16xf32>
        %add3A_298 = arith.addf %add3A_296, %add3A_297 : vector<16xf32>
        %add3A_299 = arith.addf %add3A_295, %add3A_298 : vector<16xf32>
        %add3A_300 = arith.addf %scan3A_241, %add3A_299 : vector<16xf32>
        scf.yield %add3A_300 : vector<16xf32>
      }
      %scan3A_227 = arith.constant 25 : i32
      %mul3A_228 = arith.constant 5.000000e-03 : f32
      %mul3A_229 = vector.broadcast %mul3A_228 : f32 to vector<16xf32>
      %mul3A_230 = arith.mulf %scan3A_226, %mul3A_229 : vector<16xf32>
      %mul3A_231 = arith.constant 4 : i32
      %mul3A_232 = arith.muli %scan3A_8, %mul3A_231 : i32
      %add3A_233 = arith.constant 3 : i32
      %add3A_234 = arith.addi %mul3A_232, %add3A_233 : i32
      %swap3A_235 = arith.index_cast %add3A_234 : i32 to index
      %swap3A_236 = arith.constant 16 : index
      %swap3A_237 = tpu.vector_load %arg7[%swap3A_235, %swap3A_236] {strides = array<i32>} : memref<512x32xf32, #tpu.memory_space<vmem>>, vector<1x16xf32>,
      %swap3A_238 = vector.shape_cast %swap3A_237 : vector<1x16xf32> to vector<16xf32>
      %swap3A_239 = vector.shape_cast %mul3A_230 : vector<16xf32> to vector<1x16xf32>
      tpu.vector_store %arg7[%swap3A_235, %swap3A_236], %swap3A_239 {strides = array<i32>} : memref<512x32xf32, #tpu.memory_space<vmem>>, vector<1x16xf32>,
    }
    %scan3A_7 = arith.constant 128 : i32
    "tpu.region"() ({
      %run_scoped3A = tpu.sem_alloc : memref<!tpu.dma_semaphore, #tpu.memory_space<semaphore_mem>>
      %dma_start3A = arith.constant 0 : i32
      %dma_start3A_8 = tpu.memref_slice %arg4[%mul3A_2, %dma_start3A] : memref<16384x32xf32, #tpu.memory_space<hbm>> -> memref<512x32xf32, #tpu.memory_space<hbm>>
      %dma_start3A_9 = arith.constant 0 : i32
      %dma_start3A_10 = tpu.memref_slice %arg4[%mul3A_2, %dma_start3A_9] : memref<16384x32xf32, #tpu.memory_space<hbm>> -> memref<512x32xf32, #tpu.memory_space<hbm>>
      tpu.enqueue_dma source(%arg7 : memref<512x32xf32, #tpu.memory_space<vmem>>) target(%dma_start3A_10 : memref<512x32xf32, #tpu.memory_space<hbm>>) target_semaphore(%run_scoped3A : memref<!tpu.dma_semaphore, #tpu.memory_space<semaphore_mem>>)
      %dma_wait3A = arith.constant 0 : i32
      %dma_wait3A_11 = tpu.memref_slice %arg4[%mul3A_2, %dma_wait3A] : memref<16384x32xf32, #tpu.memory_space<hbm>> -> memref<512x32xf32, #tpu.memory_space<hbm>>
      %dma_wait3A_12 = arith.constant 0 : i32
      %dma_wait3A_13 = tpu.memref_slice %arg4[%mul3A_2, %dma_wait3A_12] : memref<16384x32xf32, #tpu.memory_space<hbm>> -> memref<512x32xf32, #tpu.memory_space<hbm>>
      tpu.wait_dma2 semaphore(%run_scoped3A : memref<!tpu.dma_semaphore, #tpu.memory_space<semaphore_mem>>) src(%arg7 : memref<512x32xf32, #tpu.memory_space<vmem>>) dst(%dma_wait3A_13 : memref<512x32xf32, #tpu.memory_space<hbm>>)
      tpu.yield
    }) : () -> ()
    return
  }
}

module attributes {stable_mosaic.version = 14 : i64} {
  func.func @body(%arg0: i32, %arg1: memref<32x16384xf32, #tpu.memory_space<vmem>>, %arg2: memref<16384x128xf32, #tpu.memory_space<vmem>>) attributes {dimension_semantics = [#tpu.dimension_semantics<arbitrary>], iteration_bounds = array<i64: 62>, scalar_prefetch = 0 : i64, scratch_operands = 0 : i64, tpu.core_type = #tpu.core_type<tc>, window_params = [{transform_indices = @transform_0, window_bounds = array<i64: 32, 16384>}, {transform_indices = @transform_1, window_bounds = array<i64: 16384, 128>}]} {
    %iota3A = tpu.iota {dimensions = array<i32: 0>} : vector<32x128xi32>
    %iota3A_0 = tpu.iota {dimensions = array<i32: 1>} : vector<32x128xi32>
    %add3A = arith.constant 0 : i32
    %add3A_1 = vector.broadcast %add3A : i32 to vector<32x128xi32>
    %add3A_2 = arith.addi %iota3A, %add3A_1 : vector<32x128xi32>
    %eq3A = arith.cmpi eq, %add3A_2, %iota3A_0 : vector<32x128xi32>
    %convert_element_type3A = arith.extui %eq3A : vector<32x128xi1> to vector<32x128xi32>
    %convert_element_type3A_3 = arith.sitofp %convert_element_type3A : vector<32x128xi32> to vector<32x128xf32>
    %get3A = arith.constant 0 : index
    %get3A_4 = arith.constant 0 : index
    %get3A_5 = vector.load %arg1[%get3A, %get3A_4] : memref<32x16384xf32, #tpu.memory_space<vmem>>, vector<32x16384xf32>
    %dot_general3A = arith.constant dense<0.000000e+00> : vector<16384x128xf32>
    %dot_general3A_6 = tpu.matmul %get3A_5, %convert_element_type3A_3, %dot_general3A {dimension_numbers = #tpu.dot_dimension_numbers<[0], [0], [1], [1], [0, 1, 1, 1], [], []>, transpose_lhs_hint = false} : vector<32x16384xf32>, vector<32x128xf32>, vector<16384x128xf32> -> vector<16384x128xf32>
    %swap3A = arith.constant 0 : index
    %swap3A_7 = arith.constant 0 : index
    %swap3A_8 = vector.load %arg2[%swap3A, %swap3A_7] : memref<16384x128xf32, #tpu.memory_space<vmem>>, vector<16384x128xf32>
    tpu.vector_store %arg2[%swap3A, %swap3A_7], %dot_general3A_6 {strides = array<i32>} : memref<16384x128xf32, #tpu.memory_space<vmem>>, vector<16384x128xf32>,
    return
  }
  func.func @transform_0(%arg0: i32) -> (i32, i32) {
    %c0_i32 = arith.constant 0 : i32
    %c0_i32_0 = arith.constant 0 : i32
    return %c0_i32, %arg0 : i32, i32
  }
  func.func @transform_1(%arg0: i32) -> (i32, i32) {
    %c0_i32 = arith.constant 0 : i32
    %c0_i32_0 = arith.constant 0 : i32
    return %arg0, %c0_i32 : i32, i32
  }
}

module attributes {stable_mosaic.version = 14 : i64} {
  func.func @body(%arg0: memref<16384x32xf32, #tpu.memory_space<vmem>>, %arg1: memref<32x16xf32, #tpu.memory_space<vmem>>, %arg2: memref<1x16xf32, #tpu.memory_space<vmem>>, %arg3: memref<16384x16xf32, #tpu.memory_space<vmem>>) attributes {dimension_semantics = [], scalar_prefetch = 0 : i64, scratch_operands = 0 : i64, tpu.core_type = #tpu.core_type<tc>} {
    %get3A = arith.constant 0 : index
    %get3A_0 = arith.constant 0 : index
    %get3A_1 = vector.load %arg0[%get3A, %get3A_0] : memref<16384x32xf32, #tpu.memory_space<vmem>>, vector<16384x32xf32>
    %get3A_2 = arith.constant 0 : index
    %get3A_3 = arith.constant 0 : index
    %get3A_4 = vector.load %arg1[%get3A_2, %get3A_3] : memref<32x16xf32, #tpu.memory_space<vmem>>, vector<32x16xf32>
    %dot_general3A = arith.constant dense<0.000000e+00> : vector<16384x16xf32>
    %dot_general3A_5 = tpu.matmul %get3A_1, %get3A_4, %dot_general3A {dimension_numbers = #tpu.dot_dimension_numbers<[1], [0], [0], [1], [0, 0, 1, 1], [], []>, transpose_lhs_hint = false} : vector<16384x32xf32>, vector<32x16xf32>, vector<16384x16xf32> -> vector<16384x16xf32>
    %get3A_6 = arith.constant 0 : index
    %get3A_7 = arith.constant 0 : index
    %get3A_8 = vector.load %arg2[%get3A_6, %get3A_7] : memref<1x16xf32, #tpu.memory_space<vmem>>, vector<1x16xf32>
    %add3A = vector.broadcast %get3A_8 : vector<1x16xf32> to vector<16384x16xf32>
    %add3A_9 = arith.addf %dot_general3A_5, %add3A : vector<16384x16xf32>
    %swap3A = arith.constant 0 : index
    %swap3A_10 = arith.constant 0 : index
    %swap3A_11 = vector.load %arg3[%swap3A, %swap3A_10] : memref<16384x16xf32, #tpu.memory_space<vmem>>, vector<16384x16xf32>
    tpu.vector_store %arg3[%swap3A, %swap3A_10], %add3A_9 {strides = array<i32>} : memref<16384x16xf32, #tpu.memory_space<vmem>>, vector<16384x16xf32>,
    return
  }
}

</mosaic_0001>

<sc_bundles>
// kernel: kernel.5.cloned.1.call-start
scs
__scs_entry_jumppad:
0x0: {  	(pc) =	sbr.rel $0x88, $3  }
0x1: {  	(tag) =	ssettag $0x0;
	lr =	simm.s32 $0x1  }
0x2: {  	[smem:$0x3F9D] =	sst lr;
	_ =	strace $0xD0000000  }
0x3: {  	_ = 	snop  }
0x4: {  	_ = 	snop  }
0x5: {  	_ = 	snop  }
0x6: {  	_ = 	snop  }
0x7: {  	_ = 	snop  }
__scs_overlays_trampoline_lowered:
0x8: {  	[smem:$0x3FAC] =	sst s0  }
0x9: {  	[smem:$0x3FAD] =	sst s1  }
0xa: {  	[smem:$0x3FAE] =	sst s2  }
0xb: {  	[smem:$0x3FAF] =	sst s3  }
0xc: {  	[smem:$0x3FB0] =	sst s4  }
0xd: {  	[smem:$0x3FB1] =	sst s5  }
0xe: {  	[smem:$0x3FB2] =	sst s6  }
0xf: {  	[smem:$0x3FB3] =	sst s7  }
0x10: {  	[smem:$0x3FB4] =	sst s8  }
0x11: {  	[smem:$0x3FB5] =	sst s9;
	s0 =	simm.s32 @!p0 $0x0  }
0x12: {  	s1 =	sld [smem:$0x3F9B];
	s0 =	simm.s32 @p0 $0x1  }
0x13: {  	[smem:$0x3FB6] =	sst s0;
	s0 =	simm.s32 @!p1 $0x0  }
0x14: {  	s2 =	sld [smem:$0x3F9A];
	s0 =	simm.s32 @p1 $0x1  }
0x15: {  	[smem:$0x3FB7] =	sst s0;
	s0 =	simm.s32 @!p2 $0x0  }
0x16: {  	s3 =	sld [smem:$0x3FDB];
	s0 =	simm.s32 @p2 $0x1  }
0x17: {  	s4 =	simm.s32 $0x1BF5;
	[smem:$0x3FB9] =	sst s0  }
0x18: {  	s0 =	sld [smem:$0x3F9C];
	_ =	swait.ge [sflag:s4], $0x0  }
0x19: {  	s7 =	sld [smem:$0x3F9D]  }
0x1a: {  	s8 =	sadd.s32 $0xFFFFE003, lr  }
0x1b: {  	s9 =	sadd.s32 $0xFFFFFEF7, lr;
	s5 =	simm.s32 $0xFFFFFFFF;
	p2 =	slt.u32 s8, $0xFFFFF086  }
0x1c: {  	p1 =	slt.u32 s9, $0xF7A;
	s5 =	simm.s32 @!p2 $0x0  }
0x1d: {  	s5 =	simm.s32 @p1 $0x1;
	p0 =	seq.s32 s7, s2  }
0x1e: {  	s7 =	smul.u32 @!p0 $0xF7A, s2;
	p2 =	seq.s32 @!p0 s5, $0x0  }
0x1f: {  	s9 =	smul.u32 $0xF7A, s1;
	s8 =	simm.s32 @!p0 $0x1BF5;
	p2 =	por !p2, p0  }
0x20: {  	[sflag:s8] =	ssyncset.s32 @!p0 $0xFFFFF086;
	s6 =	sadd.s32 @!p0 s3, s7;
	s7 =	simm.s32 @!p0 $0x108  }
0x21: {  	s3 =	sadd.s32 s3, s9;
	s6 =	sadd.s32 @!p0 $0x88, s6;
	s7 =	simm.s32 @p2 $0x1082  }
0x22: {  	[simem:s7], [sflag:s8] =	dma.local @!p0 [hbm:s6], $0xF7A  }
0x23: {  	s9 =	sor.u32 $0xD0000000, s2;
	s6 =	simm.s32 $0x108;
	_ =	swait.ge @!p0 [sflag:s8], $0x0  }
0x24: {  	s3 =	sadd.s32 $0x88, s3;
	s6 =	simm.s32 @!p1 $0x1082;
	[sflag:s4] =	ssyncset.s32 $0xFFFFF086  }
0x25: {  	[simem:s6], [sflag:s4] =	dma.local [hbm:s3], $0xF7A  }
0x26: {  	[smem:$0x3F9D] =	sst s1;
	(tag) =	ssettag s2;
	_ =	strace s9  }
0x27: {  	s1 =	sld [smem:$0x3FAD]  }
0x28: {  	s2 =	sld [smem:$0x3FAE]  }
0x29: {  	s4 =	sld [smem:$0x3FB0]  }
0x2a: {  	p0 =	seq.s32 s5, $0x0;
	s5 =	sld [smem:$0x3FB1]  }
0x2b: {  	s6 =	sld [smem:$0x3FB2]  }
0x2c: {  	s7 =	sld [smem:$0x3FB3]  }
0x2d: {  	s3 =	simm.s32 $0x108;
	s8 =	sld [smem:$0x3FB4]  }
0x2e: {  	s3 =	simm.s32 @!p0 $0x1082;
	s9 =	sld [smem:$0x3FB5]  }
0x2f: {  	lr =	sadd.s32 s0, s3;
	s0 =	sld [smem:$0x3FAC]  }
0x30: {  	s3 =	sld [smem:$0x3FAF]  }
0x31: {  	[smem:$0x3FB8] =	sst s10  }
0x32: {  	s10 =	sld [smem:$0x3FB6];
	_ =	sdelay $0x3  }
0x33: {  	p0 =	seq.s32 s10, $0x1;
	s10 =	sld [smem:$0x3FB8];
	_ =	sdelay $0x3  }
0x34: {  	[smem:$0x3FB8] =	sst s10  }
0x35: {  	s10 =	sld [smem:$0x3FB7];
	_ =	sdelay $0x3  }
0x36: {  	p1 =	seq.s32 s10, $0x1;
	s10 =	sld [smem:$0x3FB8];
	_ =	sdelay $0x3  }
0x37: {  	[smem:$0x3FB8] =	sst s10  }
0x38: {  	s10 =	sld [smem:$0x3FB9]  }
0x39: {  	_ = 	snop;
	(pc) =	sbr.ind lr, $3  }
0x3a: {  	_ = 	snop  }
0x3b: {  	_ = 	snop  }
0x3c: {  	p2 =	seq.s32 s10, $0x1;
	s10 =	sld [smem:$0x3FB8]  }
0x3d: {  	_ =	shalt  }
0x3e: {  	_ =	shalt  }
0x3f: {  	_ =	shalt  }
0x40: {  	_ =	shalt  }
0x41: {  	_ =	shalt  }
0x42: {  	_ =	shalt  }
0x43: {  	_ =	shalt  }
0x44: {  	_ =	shalt  }
0x45: {  	_ =	shalt  }
0x46: {  	_ =	shalt  }
0x47: {  	_ =	shalt  }
0x48: {  	_ =	shalt  }
0x49: {  	_ =	shalt  }
0x4a: {  	_ =	shalt  }
0x4b: {  	_ =	shalt  }
0x4c: {  	_ =	shalt  }
0x4d: {  	_ =	shalt  }
0x4e: {  	_ =	shalt  }
0x4f: {  	_ =	shalt  }
0x50: {  	_ =	shalt  }
0x51: {  	_ =	shalt  }
0x52: {  	_ =	shalt  }
0x53: {  	_ =	shalt  }
0x54: {  	_ =	shalt  }
0x55: {  	_ =	shalt  }
0x56: {  	_ =	shalt  }
0x57: {  	_ =	shalt  }
0x58: {  	_ =	shalt  }
0x59: {  	_ =	shalt  }
0x5a: {  	_ =	shalt  }
0x5b: {  	_ =	shalt  }
0x5c: {  	_ =	shalt  }
0x5d: {  	_ =	shalt  }
0x5e: {  	_ =	shalt  }
0x5f: {  	_ =	shalt  }
0x60: {  	_ =	shalt  }
0x61: {  	_ =	shalt  }
0x62: {  	_ =	shalt  }
0x63: {  	_ =	shalt  }
0x64: {  	_ =	shalt  }
0x65: {  	_ =	shalt  }
0x66: {  	_ =	shalt  }
0x67: {  	_ =	shalt  }
0x68: {  	_ =	shalt  }
0x69: {  	_ =	shalt  }
0x6a: {  	_ =	shalt  }
0x6b: {  	_ =	shalt  }
0x6c: {  	_ =	shalt  }
0x6d: {  	_ =	shalt  }
0x6e: {  	_ =	shalt  }
0x6f: {  	_ =	shalt  }
0x70: {  	_ =	shalt  }
0x71: {  	_ =	shalt  }
0x72: {  	_ =	shalt  }
0x73: {  	_ =	shalt  }
0x74: {  	_ =	shalt  }
0x75: {  	_ =	shalt  }
0x76: {  	_ =	shalt  }
0x77: {  	_ =	shalt  }
0x78: {  	_ =	shalt  }
0x79: {  	_ =	shalt  }
0x7a: {  	_ =	shalt  }
0x7b: {  	_ =	shalt  }
0x7c: {  	_ =	shalt  }
0x7d: {  	_ =	shalt  }
0x7e: {  	_ =	shalt  }
0x7f: {  	_ =	shalt  }
0x80: {  	_ =	shalt  }
0x81: {  	_ =	shalt  }
0x82: {  	_ =	shalt  }
0x83: {  	_ =	shalt  }
0x84: {  	_ =	shalt  }
0x85: {  	_ =	shalt  }
0x86: {  	_ =	shalt  }
0x87: {  	_ =	shalt  }
.Lfunc_end0:
.L_simem_size_0:
called_computation_lowered:
.L_overlay_start_0:
0x88: {  	s2 =	sld [smem:$0x3FD9]  }
0x89: {  	s3 =	sld [smem:$0x3FFE];
	_ =	sdelay $0x1  }
0x8a: {  	s1 =	srdreg.scid  }
0x8b: {  	s0 =	sand.u32 $0x1, s1  }
0x8c: {  	s16 =	sshll.u32 s0, $0xA;
	s2 =	sadd.s32 s3, s2  }
0x8d: {  	s2 =	sadd.s32 s2, s16  }
0x8e: {  	[smem:$0x3FC4] =	sst s2  }
0x8f: {  	_ = 	snop  }
0x90: {  	(tm) =	ssettm $0x1  }
0x91: {  	s17 =	sld [smem:$0x3FFB];
	_ =	sdelay $0x3  }
0x92: {  	_ =	strace s17  }
0x93: {  	s2 =	sld [smem:$0x3FFC];
	_ =	sdelay $0x3  }
0x94: {  	_ =	strace s2  }
0x95: {  	s2 =	sld [smem:$0x3FFD];
	_ =	sdelay $0x3  }
0x96: {  	_ =	strace s2  }
0x97: {  	_ =	strace $0x8FFFFFFF  }
0x98: {  	s18 =	sld [smem:$0x3FDB];
	_ =	sdelay $0x1  }
0x99: {  	s19 =	simm.s32 $_scs_section_size  }
0x9a: {  	s4 =	simm.s32 $_size__tile_overlayer_lowered;
	s5 =	simm.s32 $_tile_overlayer_lowered  }
0x9b: {  	s22 =	simm.s32 $0x1BFF;
	s21 =	sshll.u32 s5, $0x1;
	s2 =	sadd.s32 s19, s18  }
0x9c: {  	s6 =	simm.s32 $0x0;
	s20 =	sshll.u32 s4, $0x1;
	s4 =	sadd.s32 s21, s2  }
0x9d: {  	[timem:s6], [sflag:s22] =	dma.local [hbm:s4], s20  }
0x9e: {  	_ =	swait.ge [sflag:s22], s20  }
0x9f: {  	s3 =	ssub.s32 $0x0, s20;
	[sflag:s22] =	ssyncset.done $0x0  }
0xa0: {  	[sflag:s22] =	ssyncadd.s32 s3;
	_ =	sdelay $0x1  }
0xa1: {  	s23 =	simm.s32 $0x1B8B  }
0xa2: {  	_ =	swait.ge [sflag:s23], $0x1  }
0xa3: {  	[sflag:s23] =	ssyncset.done $0x0  }
0xa4: {  	s25 =	simm.s32 $0x1B8E;
	s24 =	sld [smem:$0x3FFE];
	[sflag:s23] =	ssyncadd.s32 $0xFFFFFFFF  }
0xa5: {  	s26 =	simm.s32 $execute0_lowered;
	[smem:$0x3FD2] =	sst s25  }
0xa6: {  	s4 =	sshll.u32 s26, $0x1;
	_ =	strace $0x80000046;
	[dreg:$0x1] =	wrdreg $0xFFFFFFFF  }
0xa7: {  	s28 =	simm.s32 $_size_execute0_lowered;
	s2 =	sadd.s32 s2, s4;
	[dreg:$0x0] =	wrdreg $0x0  }
0xa8: {  	s4 =	sshll.u32 s28, $0x1;
	[dreg:$0x2] =	wrdreg s2  }
0xa9: {  	[dreg:$0x3] =	wrdreg s4  }
0xaa: {  	[dreg:$0x4] =	wrdreg $0xC0  }
0xab: {  	_ =	task [dreg:s6], $0x5FFFF  }
0xac: {  	[dreg:$0x1] =	wrdreg $0xFFFFFFFF  }
0xad: {  	[dreg:$0x0] =	wrdreg $0x60  }
0xae: {  	[dreg:$0x2] =	wrdreg s24  }
0xaf: {  	[dreg:$0x3] =	wrdreg $0x9  }
0xb0: {  	_ =	task.clear_ibuf [dreg:s6], $0x4FFFF;
	_ =	strace $0x90000046  }
0xb1: {  	s29 =	simm.s32 $0x9;
	_ =	strace $0x80000048  }
0xb2: {  	_ =	swait.ge [sflag:s29], $0x1  }
0xb3: {  	[sflag:s29] =	ssyncadd.s32 $0xFFFFFFFF  }
0xb4: {  	_ =	strace $0x90000048  }
0xb5: {  	_ =	sfence  }
0xb6: {  	s30 =	sld [smem:$0x0];
	_ =	sdelay $0x2  }
0xb7: {  	s31 =	sshll.u32 s1, $0xD;
	s1 =	sshrl.u32 s1, $0x2  }
0xb8: {  	s3 =	sand.u32 $0x4000, s31;
	s1 =	sadd.s32 s1, s30  }
0xb9: {  	s0 =	sor.u32 s3, s0;
	s1 =	sshll.u32 s1, $0x11  }
0xba: {  	s0 =	sor.u32 s1, s0  }
0xbb: {  	s0 =	sadd.s32 $0x8F2B, s0  }
0xbc: {  	[sflag:s0] =	ssyncadd.remote.s32 $0x1  }
0xbd: {  	_ =	sfence.sel $0xFFFF  }
0xbe: {  	[dreg:$0x0] =	wrdreg $0xFFFFFFFF;
	(pc) =	sbr.abs _section_cstart, $3  }
0xbf: {  	[dreg:$0x1] =	wrdreg $0xFFFFFFFF  }
0xc0: {  	_ =	task.clear_ibuf [dreg:s6], $0x2FFFF;
	_ =	strace $0x9FFFFFFF  }
0xc1: {  	(tm) =	ssettm $0x7FFFFFFF  }
tec
execute0_lowered:
.L_overlay_start_1:
0x0: {  	(tag) =	ssettag $0x1  }
0x1: {  	s5 =	rddreg [dreg:$0x0];
	s2 =	srdreg.scid  }
0x2: {  	s0 =	rddreg [dreg:$0x1];
	s1 =	stileid.u32  }
0x3: {  	s9 =	simm.s32 $0xC8;
	s10 =	simm.s32 $0x320;
	s11 =	simm.s32 $0x1C20  }
0x4: {  	s12 =	simm.s32 $0x190;
	s13 =	simm.s32 $0x3520;
	s14 =	simm.s32 $0x258  }
0x5: {  	s15 =	simm.s32 $0x4E20;
	s16 =	simm.s32 $0x1;
	s17 =	simm.s32 $0x6720  }
0x6: {  	s18 =	simm.s32 $0x0;
	s4 =	sand.u32 $0x1, s2;
	s2 =	simm.s32 $0x0  }
0x7: {  	s3 =	sshll.u32 s1, $0xA;
	s6 =	sshll.u32 s4, $0x9;
	[smem:$0x7FF] =	sst s2  }
0x8: {  	s7 =	ssub.s32 $0x2, s4;
	s4 =	sadd.s32 $0x64400, s5;
	s3 =	sor.u32 s6, s3  }
0x9: {  	_ =	strace $0x80000047;
	s8 =	sshrl.u32 s7, $0x1;
	s6 =	sshll.u32 s3, $0x2  }
0xa: {  	s7 =	ssub.s32 s7, s8;
	s8 =	simm.s32 $0x2;
	s6 =	sadd.s32 s6, s5  }
0xb: {  	s5 =	sadd.s32 $0x400, s5;
	s7 =	smax.u32 s7, $0x1;
	s6 =	sadd.s32 $0xFA6800, s6  }
.LBB2_1:
0xc: {  	s19 =	simm.s32 $0x0  }
.LBB2_2:
0xd: {  	s20 =	sshll.u32 s19, $0x2  }
0xe: {  	s20 =	sadd.s32 s3, s20  }
0xf: {  	s20 =	smul.u32 $0x19, s20;
	_ =	sdelay $0x1  }
0x10: {  	s21 =	simm.s32 $0x0;
	s20 =	sadd.s32 s5, s20  }
0x11: {  	[tilespmem:s21], [sflag:$0x2] =	stream.linear.gather [hbm4b:s20+s21], $0x320, $0x38;
	[tilespmem:$0xA720] =	vst v63  }
0x12: {  	_ =	swait.ge [sflag:s8], $0x320  }
0x13: {  	[sflag:s8] =	ssyncset.done $0x0  }
0x14: {  	s20 =	simm.s32 $0x0;
	s21 =	simm.s32 $0x40;
	[sflag:s8] =	ssyncadd.s32 $0xFFFFFCE0  }
.LBB2_3:
0x15: {  	p0 =	sne.s32 s21, $0xC40;
	v0 =	vld [tilespmem:s20+$0x0];
	_ =	sdelay $0x1  }
.Ltmp0:
0x16: {  	(pc) =	sbr.rel @p0 .LBB2_3-.Ltmp0, $3  }
0x17: {  	_ =	sdelay $0x1  }
0x18: {  	v0 =	vshll.u32 v0, $0x2  }
0x19: {  	[tilespmem:s20+$0x0] =	vst v0;
	s20 =	sshra.s32 s21, $0x2;
	s21 =	sadd.s32 $0x40, s21  }
0x1a: {  	v0 =	vld [tilespmem:s20+$0x0];
	_ =	sdelay $0x4  }
0x1b: {  	v0 =	vshll.u32 v0, $0x2  }
0x1c: {  	s31 =	simm.s32 $0x0;
	[tilespmem:s20+$0x0] =	vst v0  }
0x1d: {  	[tilespmem:s10], [sflag:$0x1] =	stream.indirect.gather [hbm4b:s4+s9], $0x20, s31, s9, $0xb8;
	[tilespmem:$0xA720] =	vst v63  }
0x1e: {  	_ = 	snop  }
0x1f: {  	[tilespmem:s11], [sflag:$0x1] =	stream.indirect.gather [hbm4b:s4+s9], $0x20, s9, s9, $0xb8;
	[tilespmem:$0xA720] =	vst v63  }
0x20: {  	_ = 	snop  }
0x21: {  	[tilespmem:s13], [sflag:$0x1] =	stream.indirect.gather [hbm4b:s4+s9], $0x20, s12, s9, $0xb8;
	[tilespmem:$0xA720] =	vst v63  }
0x22: {  	_ = 	snop  }
0x23: {  	[tilespmem:s15], [sflag:$0x1] =	stream.indirect.gather [hbm4b:s4+s9], $0x20, s14, s9, $0xb8;
	[tilespmem:$0xA720] =	vst v63  }
0x24: {  	_ =	swait.ge [sflag:s16], $0x1900  }
0x25: {  	[sflag:s16] =	ssyncset.done $0x0  }
0x26: {  	[sflag:s16] =	ssyncadd.s32 $0xFFFFE700  }
0x27: {  	_ =	swait.ge [sflag:s16], $0x1900  }
0x28: {  	[sflag:s16] =	ssyncset.done $0x0  }
0x29: {  	[sflag:s16] =	ssyncadd.s32 $0xFFFFE700  }
0x2a: {  	_ =	swait.ge [sflag:s16], $0x1900  }
0x2b: {  	[sflag:s16] =	ssyncset.done $0x0  }
0x2c: {  	[sflag:s16] =	ssyncadd.s32 $0xFFFFE700  }
0x2d: {  	_ =	swait.ge [sflag:s16], $0x1900  }
0x2e: {  	[sflag:s16] =	ssyncset.done $0x0  }
0x2f: {  	s21 =	simm.s32 $0x0;
	[sflag:s16] =	ssyncadd.s32 $0xFFFFE700  }
0x30: {  	v0 =	vld [tilespmem:s21+$0x320]  }
0x31: {  	v2 =	vld [tilespmem:s21+$0x340]  }
0x32: {  	v5 =	vld [tilespmem:s21+$0x360]  }
0x33: {  	v6 =	vld [tilespmem:s21+$0x380]  }
0x34: {  	v8 =	vld [tilespmem:s21+$0x3A0]  }
0x35: {  	v9 =	vld [tilespmem:s21+$0x3C0]  }
0x36: {  	v10 =	vld [tilespmem:s21+$0x3E0]  }
0x37: {  	s20 =	simm.s32 $0x100;
	v11 =	vld [tilespmem:s21+$0x400]  }
0x38: {  	v4 =	vld [tilespmem:s20+$0x320]  }
0x39: {  	v7 =	vld [tilespmem:s20+$0x340]  }
0x3a: {  	v3 =	vld [tilespmem:s20+$0x360]  }
0x3b: {  	v1 =	vld [tilespmem:s20+$0x380];
	v12 =	vadd.f32 v2, v0;
	v13 =	vadd.f32 v6, v5  }
0x3c: {  	v2 =	vld [tilespmem:s20+$0x3A0];
	v9 =	vadd.f32 v9, v8;
	v10 =	vadd.f32 v11, v10  }
0x3d: {  	v5 =	vld [tilespmem:s20+$0x3C0]  }
0x3e: {  	s21 =	simm.s32 $0x800;
	v0 =	vimm.f32 $0.0e+00;
	v6 =	vld [tilespmem:s20+$0x3E0];
	v8 =	vadd.f32 v13, v12;
	v9 =	vadd.f32 v10, v9  }
.LBB2_5:
0x3f: {  	p0 =	sne.s32 s21, $0x6000;
	v10 =	vld [tilespmem:s20+$0x400];
	s20 =	sshra.s32 s21, $0x2;
	v11 =	vmov v3  }
0x40: {  	v12 =	vld [tilespmem:s20+$0x320];
	v8 =	vadd.f32 v9, v8  }
0x41: {  	v13 =	vld [tilespmem:s20+$0x340]  }
.Ltmp1:
0x42: {  	v3 =	vld [tilespmem:s20+$0x360];
	v0 =	vadd.f32 v8, v0;
	(pc) =	sbr.rel @p0 .LBB2_5-.Ltmp1, $4  }
0x43: {  	v14 =	vadd.f32 v7, v4;
	v8 =	vadd.f32 v1, v11;
	v1 =	vld [tilespmem:s20+$0x380]  }
0x44: {  	v9 =	vadd.f32 v5, v2;
	v2 =	vld [tilespmem:s20+$0x3A0];
	v10 =	vadd.f32 v10, v6  }
0x45: {  	v5 =	vld [tilespmem:s20+$0x3C0];
	v4 =	vmov v12  }
0x46: {  	s21 =	sadd.s32 $0x400, s21;
	v8 =	vadd.f32 v8, v14;
	v6 =	vld [tilespmem:s20+$0x3E0];
	v9 =	vadd.f32 v10, v9;
	v7 =	vmov v13  }
0x47: {  	v10 =	vld [tilespmem:s20+$0x400];
	_ =	sdelay $0x3  }
0x48: {  	v4 =	vadd.f32 v7, v4;
	v1 =	vadd.f32 v1, v3  }
0x49: {  	v2 =	vadd.f32 v5, v2;
	v3 =	vadd.f32 v10, v6  }
0x4a: {  	v5 =	vadd.f32 v9, v8  }
0x4b: {  	v1 =	vadd.f32 v1, v4;
	v2 =	vadd.f32 v3, v2;
	_ =	sdelay $0x1  }
0x4c: {  	v0 =	vadd.f32 v5, v0;
	v1 =	vadd.f32 v2, v1;
	_ =	sdelay $0x1  }
0x4d: {  	v0 =	vadd.f32 v1, v0;
	_ =	sdelay $0x1  }
0x4e: {  	s31 =	sshll.u32 s19, $0x7;
	v0 =	vmul.f32 $4.999999890e-03, v0  }
0x4f: {  	s20 =	sand.u32 $0x3FFFFF80, s31  }
0x50: {  	s22 =	simm.s32 $0x0;
	[tilespmem:s20+$0x6720] =	vst v0  }
0x51: {  	v0 =	vld [tilespmem:s22+$0x330]  }
0x52: {  	v2 =	vld [tilespmem:s22+$0x350]  }
0x53: {  	v5 =	vld [tilespmem:s22+$0x370]  }
0x54: {  	v6 =	vld [tilespmem:s22+$0x390]  }
0x55: {  	v8 =	vld [tilespmem:s22+$0x3B0]  }
0x56: {  	v9 =	vld [tilespmem:s22+$0x3D0]  }
0x57: {  	v10 =	vld [tilespmem:s22+$0x3F0]  }
0x58: {  	s21 =	simm.s32 $0x100;
	v11 =	vld [tilespmem:s22+$0x410]  }
0x59: {  	v4 =	vld [tilespmem:s21+$0x330]  }
0x5a: {  	v7 =	vld [tilespmem:s21+$0x350]  }
0x5b: {  	v3 =	vld [tilespmem:s21+$0x370]  }
0x5c: {  	v1 =	vld [tilespmem:s21+$0x390];
	v12 =	vadd.f32 v2, v0;
	v13 =	vadd.f32 v6, v5  }
0x5d: {  	v2 =	vld [tilespmem:s21+$0x3B0];
	v9 =	vadd.f32 v9, v8;
	v10 =	vadd.f32 v11, v10  }
0x5e: {  	v5 =	vld [tilespmem:s21+$0x3D0]  }
0x5f: {  	s22 =	simm.s32 $0x800;
	v0 =	vimm.f32 $0.0e+00;
	v6 =	vld [tilespmem:s21+$0x3F0];
	v8 =	vadd.f32 v13, v12;
	v9 =	vadd.f32 v10, v9  }
.LBB2_7:
0x60: {  	p0 =	sne.s32 s22, $0x6000;
	v10 =	vld [tilespmem:s21+$0x410];
	s21 =	sshra.s32 s22, $0x2;
	v11 =	vmov v3  }
0x61: {  	v12 =	vld [tilespmem:s21+$0x330];
	v8 =	vadd.f32 v9, v8  }
0x62: {  	v13 =	vld [tilespmem:s21+$0x350]  }
.Ltmp2:
0x63: {  	v3 =	vld [tilespmem:s21+$0x370];
	v0 =	vadd.f32 v8, v0;
	(pc) =	sbr.rel @p0 .LBB2_7-.Ltmp2, $4  }
0x64: {  	v14 =	vadd.f32 v7, v4;
	v8 =	vadd.f32 v1, v11;
	v1 =	vld [tilespmem:s21+$0x390]  }
0x65: {  	v9 =	vadd.f32 v5, v2;
	v2 =	vld [tilespmem:s21+$0x3B0];
	v10 =	vadd.f32 v10, v6  }
0x66: {  	v5 =	vld [tilespmem:s21+$0x3D0];
	v4 =	vmov v12  }
0x67: {  	s22 =	sadd.s32 $0x400, s22;
	v8 =	vadd.f32 v8, v14;
	v6 =	vld [tilespmem:s21+$0x3F0];
	v9 =	vadd.f32 v10, v9;
	v7 =	vmov v13  }
0x68: {  	v10 =	vld [tilespmem:s21+$0x410];
	_ =	sdelay $0x3  }
0x69: {  	v4 =	vadd.f32 v7, v4;
	v1 =	vadd.f32 v1, v3  }
0x6a: {  	v2 =	vadd.f32 v5, v2;
	v3 =	vadd.f32 v10, v6  }
0x6b: {  	v5 =	vadd.f32 v9, v8  }
0x6c: {  	v1 =	vadd.f32 v1, v4;
	v2 =	vadd.f32 v3, v2;
	_ =	sdelay $0x1  }
0x6d: {  	v0 =	vadd.f32 v5, v0;
	v1 =	vadd.f32 v2, v1;
	_ =	sdelay $0x1  }
0x6e: {  	v0 =	vadd.f32 v1, v0;
	_ =	sdelay $0x1  }
0x6f: {  	v0 =	vmul.f32 $4.999999890e-03, v0;
	_ =	sdelay $0x1  }
0x70: {  	s22 =	simm.s32 $0x0;
	[tilespmem:s20+$0x6730] =	vst v0  }
0x71: {  	v0 =	vld [tilespmem:s22+$0x1C20]  }
0x72: {  	v2 =	vld [tilespmem:s22+$0x1C40]  }
0x73: {  	v5 =	vld [tilespmem:s22+$0x1C60]  }
0x74: {  	v6 =	vld [tilespmem:s22+$0x1C80]  }
0x75: {  	v8 =	vld [tilespmem:s22+$0x1CA0]  }
0x76: {  	v9 =	vld [tilespmem:s22+$0x1CC0]  }
0x77: {  	v10 =	vld [tilespmem:s22+$0x1CE0]  }
0x78: {  	s21 =	simm.s32 $0x100;
	v11 =	vld [tilespmem:s22+$0x1D00]  }
0x79: {  	v4 =	vld [tilespmem:s21+$0x1C20]  }
0x7a: {  	v7 =	vld [tilespmem:s21+$0x1C40]  }
0x7b: {  	v3 =	vld [tilespmem:s21+$0x1C60]  }
0x7c: {  	v1 =	vld [tilespmem:s21+$0x1C80];
	v12 =	vadd.f32 v2, v0;
	v13 =	vadd.f32 v6, v5  }
0x7d: {  	v2 =	vld [tilespmem:s21+$0x1CA0];
	v9 =	vadd.f32 v9, v8;
	v10 =	vadd.f32 v11, v10  }
0x7e: {  	v5 =	vld [tilespmem:s21+$0x1CC0]  }
0x7f: {  	s22 =	simm.s32 $0x800;
	v0 =	vimm.f32 $0.0e+00;
	v6 =	vld [tilespmem:s21+$0x1CE0];
	v8 =	vadd.f32 v13, v12;
	v9 =	vadd.f32 v10, v9  }
.LBB2_9:
0x80: {  	p0 =	sne.s32 s22, $0x6000;
	v10 =	vld [tilespmem:s21+$0x1D00];
	s21 =	sshra.s32 s22, $0x2;
	v11 =	vmov v3  }
0x81: {  	v12 =	vld [tilespmem:s21+$0x1C20];
	v8 =	vadd.f32 v9, v8  }
0x82: {  	v13 =	vld [tilespmem:s21+$0x1C40]  }
.Ltmp3:
0x83: {  	v3 =	vld [tilespmem:s21+$0x1C60];
	v0 =	vadd.f32 v8, v0;
	(pc) =	sbr.rel @p0 .LBB2_9-.Ltmp3, $4  }
0x84: {  	v14 =	vadd.f32 v7, v4;
	v8 =	vadd.f32 v1, v11;
	v1 =	vld [tilespmem:s21+$0x1C80]  }
0x85: {  	v9 =	vadd.f32 v5, v2;
	v2 =	vld [tilespmem:s21+$0x1CA0];
	v10 =	vadd.f32 v10, v6  }
0x86: {  	v5 =	vld [tilespmem:s21+$0x1CC0];
	v4 =	vmov v12  }
0x87: {  	s22 =	sadd.s32 $0x400, s22;
	v8 =	vadd.f32 v8, v14;
	v6 =	vld [tilespmem:s21+$0x1CE0];
	v9 =	vadd.f32 v10, v9;
	v7 =	vmov v13  }
0x88: {  	v10 =	vld [tilespmem:s21+$0x1D00];
	_ =	sdelay $0x3  }
0x89: {  	v4 =	vadd.f32 v7, v4;
	v1 =	vadd.f32 v1, v3  }
0x8a: {  	v2 =	vadd.f32 v5, v2;
	v3 =	vadd.f32 v10, v6  }
0x8b: {  	v5 =	vadd.f32 v9, v8  }
0x8c: {  	v1 =	vadd.f32 v1, v4;
	v2 =	vadd.f32 v3, v2;
	_ =	sdelay $0x1  }
0x8d: {  	v0 =	vadd.f32 v5, v0;
	v1 =	vadd.f32 v2, v1;
	_ =	sdelay $0x1  }
0x8e: {  	v0 =	vadd.f32 v1, v0;
	_ =	sdelay $0x1  }
0x8f: {  	v0 =	vmul.f32 $4.999999890e-03, v0;
	_ =	sdelay $0x1  }
0x90: {  	s22 =	simm.s32 $0x0;
	[tilespmem:s20+$0x6740] =	vst v0  }
0x91: {  	v0 =	vld [tilespmem:s22+$0x1C30]  }
0x92: {  	v2 =	vld [tilespmem:s22+$0x1C50]  }
0x93: {  	v5 =	vld [tilespmem:s22+$0x1C70]  }
0x94: {  	v6 =	vld [tilespmem:s22+$0x1C90]  }
0x95: {  	v8 =	vld [tilespmem:s22+$0x1CB0]  }
0x96: {  	v9 =	vld [tilespmem:s22+$0x1CD0]  }
0x97: {  	v10 =	vld [tilespmem:s22+$0x1CF0]  }
0x98: {  	s21 =	simm.s32 $0x100;
	v11 =	vld [tilespmem:s22+$0x1D10]  }
0x99: {  	v4 =	vld [tilespmem:s21+$0x1C30]  }
0x9a: {  	v7 =	vld [tilespmem:s21+$0x1C50]  }
0x9b: {  	v3 =	vld [tilespmem:s21+$0x1C70]  }
0x9c: {  	v1 =	vld [tilespmem:s21+$0x1C90];
	v12 =	vadd.f32 v2, v0;
	v13 =	vadd.f32 v6, v5  }
0x9d: {  	v2 =	vld [tilespmem:s21+$0x1CB0];
	v9 =	vadd.f32 v9, v8;
	v10 =	vadd.f32 v11, v10  }
0x9e: {  	v5 =	vld [tilespmem:s21+$0x1CD0]  }
0x9f: {  	s22 =	simm.s32 $0x800;
	v0 =	vimm.f32 $0.0e+00;
	v6 =	vld [tilespmem:s21+$0x1CF0];
	v8 =	vadd.f32 v13, v12;
	v9 =	vadd.f32 v10, v9  }
.LBB2_11:
0xa0: {  	p0 =	sne.s32 s22, $0x6000;
	v10 =	vld [tilespmem:s21+$0x1D10];
	s21 =	sshra.s32 s22, $0x2;
	v11 =	vmov v3  }
0xa1: {  	v12 =	vld [tilespmem:s21+$0x1C30];
	v8 =	vadd.f32 v9, v8  }
0xa2: {  	v13 =	vld [tilespmem:s21+$0x1C50]  }
.Ltmp4:
0xa3: {  	v3 =	vld [tilespmem:s21+$0x1C70];
	v0 =	vadd.f32 v8, v0;
	(pc) =	sbr.rel @p0 .LBB2_11-.Ltmp4, $4  }
0xa4: {  	v14 =	vadd.f32 v7, v4;
	v8 =	vadd.f32 v1, v11;
	v1 =	vld [tilespmem:s21+$0x1C90]  }
0xa5: {  	v9 =	vadd.f32 v5, v2;
	v2 =	vld [tilespmem:s21+$0x1CB0];
	v10 =	vadd.f32 v10, v6  }
0xa6: {  	v5 =	vld [tilespmem:s21+$0x1CD0];
	v4 =	vmov v12  }
0xa7: {  	s22 =	sadd.s32 $0x400, s22;
	v8 =	vadd.f32 v8, v14;
	v6 =	vld [tilespmem:s21+$0x1CF0];
	v9 =	vadd.f32 v10, v9;
	v7 =	vmov v13  }
0xa8: {  	v10 =	vld [tilespmem:s21+$0x1D10];
	_ =	sdelay $0x3  }
0xa9: {  	v4 =	vadd.f32 v7, v4;
	v1 =	vadd.f32 v1, v3  }
0xaa: {  	v2 =	vadd.f32 v5, v2;
	v3 =	vadd.f32 v10, v6  }
0xab: {  	v5 =	vadd.f32 v9, v8  }
0xac: {  	v1 =	vadd.f32 v1, v4;
	v2 =	vadd.f32 v3, v2;
	_ =	sdelay $0x1  }
0xad: {  	v0 =	vadd.f32 v5, v0;
	v1 =	vadd.f32 v2, v1;
	_ =	sdelay $0x1  }
0xae: {  	v0 =	vadd.f32 v1, v0;
	_ =	sdelay $0x1  }
0xaf: {  	v0 =	vmul.f32 $4.999999890e-03, v0;
	_ =	sdelay $0x1  }
0xb0: {  	s22 =	simm.s32 $0x0;
	[tilespmem:s20+$0x6750] =	vst v0  }
0xb1: {  	v0 =	vld [tilespmem:s22+$0x3520]  }
0xb2: {  	v2 =	vld [tilespmem:s22+$0x3540]  }
0xb3: {  	v5 =	vld [tilespmem:s22+$0x3560]  }
0xb4: {  	v6 =	vld [tilespmem:s22+$0x3580]  }
0xb5: {  	v8 =	vld [tilespmem:s22+$0x35A0]  }
0xb6: {  	v9 =	vld [tilespmem:s22+$0x35C0]  }
0xb7: {  	v10 =	vld [tilespmem:s22+$0x35E0]  }
0xb8: {  	s21 =	simm.s32 $0x100;
	v11 =	vld [tilespmem:s22+$0x3600]  }
0xb9: {  	v4 =	vld [tilespmem:s21+$0x3520]  }
0xba: {  	v7 =	vld [tilespmem:s21+$0x3540]  }
0xbb: {  	v3 =	vld [tilespmem:s21+$0x3560]  }
0xbc: {  	v1 =	vld [tilespmem:s21+$0x3580];
	v12 =	vadd.f32 v2, v0;
	v13 =	vadd.f32 v6, v5  }
0xbd: {  	v2 =	vld [tilespmem:s21+$0x35A0];
	v9 =	vadd.f32 v9, v8;
	v10 =	vadd.f32 v11, v10  }
0xbe: {  	v5 =	vld [tilespmem:s21+$0x35C0]  }
0xbf: {  	s22 =	simm.s32 $0x800;
	v0 =	vimm.f32 $0.0e+00;
	v6 =	vld [tilespmem:s21+$0x35E0];
	v8 =	vadd.f32 v13, v12;
	v9 =	vadd.f32 v10, v9  }
.LBB2_13:
0xc0: {  	p0 =	sne.s32 s22, $0x6000;
	v10 =	vld [tilespmem:s21+$0x3600];
	s21 =	sshra.s32 s22, $0x2;
	v11 =	vmov v3  }
0xc1: {  	v12 =	vld [tilespmem:s21+$0x3520];
	v8 =	vadd.f32 v9, v8  }
0xc2: {  	v13 =	vld [tilespmem:s21+$0x3540]  }
.Ltmp5:
0xc3: {  	v3 =	vld [tilespmem:s21+$0x3560];
	v0 =	vadd.f32 v8, v0;
	(pc) =	sbr.rel @p0 .LBB2_13-.Ltmp5, $4  }
0xc4: {  	v14 =	vadd.f32 v7, v4;
	v8 =	vadd.f32 v1, v11;
	v1 =	vld [tilespmem:s21+$0x3580]  }
0xc5: {  	v9 =	vadd.f32 v5, v2;
	v2 =	vld [tilespmem:s21+$0x35A0];
	v10 =	vadd.f32 v10, v6  }
0xc6: {  	v5 =	vld [tilespmem:s21+$0x35C0];
	v4 =	vmov v12  }
0xc7: {  	s22 =	sadd.s32 $0x400, s22;
	v8 =	vadd.f32 v8, v14;
	v6 =	vld [tilespmem:s21+$0x35E0];
	v9 =	vadd.f32 v10, v9;
	v7 =	vmov v13  }
0xc8: {  	v10 =	vld [tilespmem:s21+$0x3600];
	_ =	sdelay $0x3  }
0xc9: {  	v4 =	vadd.f32 v7, v4;
	v1 =	vadd.f32 v1, v3  }
0xca: {  	v2 =	vadd.f32 v5, v2;
	v3 =	vadd.f32 v10, v6  }
0xcb: {  	v5 =	vadd.f32 v9, v8  }
0xcc: {  	v1 =	vadd.f32 v1, v4;
	v2 =	vadd.f32 v3, v2;
	_ =	sdelay $0x1  }
0xcd: {  	v0 =	vadd.f32 v5, v0;
	v1 =	vadd.f32 v2, v1;
	_ =	sdelay $0x1  }
0xce: {  	v0 =	vadd.f32 v1, v0;
	_ =	sdelay $0x1  }
0xcf: {  	v0 =	vmul.f32 $4.999999890e-03, v0;
	_ =	sdelay $0x1  }
0xd0: {  	s22 =	simm.s32 $0x0;
	[tilespmem:s20+$0x6760] =	vst v0  }
0xd1: {  	v0 =	vld [tilespmem:s22+$0x3530]  }
0xd2: {  	v2 =	vld [tilespmem:s22+$0x3550]  }
0xd3: {  	v5 =	vld [tilespmem:s22+$0x3570]  }
0xd4: {  	v6 =	vld [tilespmem:s22+$0x3590]  }
0xd5: {  	v8 =	vld [tilespmem:s22+$0x35B0]  }
0xd6: {  	v9 =	vld [tilespmem:s22+$0x35D0]  }
0xd7: {  	v10 =	vld [tilespmem:s22+$0x35F0]  }
0xd8: {  	s21 =	simm.s32 $0x100;
	v11 =	vld [tilespmem:s22+$0x3610]  }
0xd9: {  	v4 =	vld [tilespmem:s21+$0x3530]  }
0xda: {  	v7 =	vld [tilespmem:s21+$0x3550]  }
0xdb: {  	v3 =	vld [tilespmem:s21+$0x3570]  }
0xdc: {  	v1 =	vld [tilespmem:s21+$0x3590];
	v12 =	vadd.f32 v2, v0;
	v13 =	vadd.f32 v6, v5  }
0xdd: {  	v2 =	vld [tilespmem:s21+$0x35B0];
	v9 =	vadd.f32 v9, v8;
	v10 =	vadd.f32 v11, v10  }
0xde: {  	v5 =	vld [tilespmem:s21+$0x35D0]  }
0xdf: {  	s22 =	simm.s32 $0x800;
	v0 =	vimm.f32 $0.0e+00;
	v6 =	vld [tilespmem:s21+$0x35F0];
	v8 =	vadd.f32 v13, v12;
	v9 =	vadd.f32 v10, v9  }
.LBB2_15:
0xe0: {  	p0 =	sne.s32 s22, $0x6000;
	v10 =	vld [tilespmem:s21+$0x3610];
	s21 =	sshra.s32 s22, $0x2;
	v11 =	vmov v3  }
0xe1: {  	v12 =	vld [tilespmem:s21+$0x3530];
	v8 =	vadd.f32 v9, v8  }
0xe2: {  	v13 =	vld [tilespmem:s21+$0x3550]  }
.Ltmp6:
0xe3: {  	v3 =	vld [tilespmem:s21+$0x3570];
	v0 =	vadd.f32 v8, v0;
	(pc) =	sbr.rel @p0 .LBB2_15-.Ltmp6, $4  }
0xe4: {  	v14 =	vadd.f32 v7, v4;
	v8 =	vadd.f32 v1, v11;
	v1 =	vld [tilespmem:s21+$0x3590]  }
0xe5: {  	v9 =	vadd.f32 v5, v2;
	v2 =	vld [tilespmem:s21+$0x35B0];
	v10 =	vadd.f32 v10, v6  }
0xe6: {  	v5 =	vld [tilespmem:s21+$0x35D0];
	v4 =	vmov v12  }
0xe7: {  	s22 =	sadd.s32 $0x400, s22;
	v8 =	vadd.f32 v8, v14;
	v6 =	vld [tilespmem:s21+$0x35F0];
	v9 =	vadd.f32 v10, v9;
	v7 =	vmov v13  }
0xe8: {  	v10 =	vld [tilespmem:s21+$0x3610];
	_ =	sdelay $0x3  }
0xe9: {  	v4 =	vadd.f32 v7, v4;
	v1 =	vadd.f32 v1, v3  }
0xea: {  	v2 =	vadd.f32 v5, v2;
	v3 =	vadd.f32 v10, v6  }
0xeb: {  	v5 =	vadd.f32 v9, v8  }
0xec: {  	v1 =	vadd.f32 v1, v4;
	v2 =	vadd.f32 v3, v2;
	_ =	sdelay $0x1  }
0xed: {  	v0 =	vadd.f32 v5, v0;
	v1 =	vadd.f32 v2, v1;
	_ =	sdelay $0x1  }
0xee: {  	v0 =	vadd.f32 v1, v0;
	_ =	sdelay $0x1  }
0xef: {  	v0 =	vmul.f32 $4.999999890e-03, v0;
	_ =	sdelay $0x1  }
0xf0: {  	s22 =	simm.s32 $0x0;
	[tilespmem:s20+$0x6770] =	vst v0  }
0xf1: {  	v0 =	vld [tilespmem:s22+$0x4E20]  }
0xf2: {  	v2 =	vld [tilespmem:s22+$0x4E40]  }
0xf3: {  	v5 =	vld [tilespmem:s22+$0x4E60]  }
0xf4: {  	v6 =	vld [tilespmem:s22+$0x4E80]  }
0xf5: {  	v8 =	vld [tilespmem:s22+$0x4EA0]  }
0xf6: {  	v9 =	vld [tilespmem:s22+$0x4EC0]  }
0xf7: {  	v10 =	vld [tilespmem:s22+$0x4EE0]  }
0xf8: {  	s21 =	simm.s32 $0x100;
	v11 =	vld [tilespmem:s22+$0x4F00]  }
0xf9: {  	v4 =	vld [tilespmem:s21+$0x4E20]  }
0xfa: {  	v7 =	vld [tilespmem:s21+$0x4E40]  }
0xfb: {  	v3 =	vld [tilespmem:s21+$0x4E60]  }
0xfc: {  	v1 =	vld [tilespmem:s21+$0x4E80];
	v12 =	vadd.f32 v2, v0;
	v13 =	vadd.f32 v6, v5  }
0xfd: {  	v2 =	vld [tilespmem:s21+$0x4EA0];
	v9 =	vadd.f32 v9, v8;
	v10 =	vadd.f32 v11, v10  }
0xfe: {  	v5 =	vld [tilespmem:s21+$0x4EC0]  }
0xff: {  	s22 =	simm.s32 $0x800;
	v0 =	vimm.f32 $0.0e+00;
	v6 =	vld [tilespmem:s21+$0x4EE0];
	v8 =	vadd.f32 v13, v12;
	v9 =	vadd.f32 v10, v9  }
.LBB2_17:
0x100: {  	p0 =	sne.s32 s22, $0x6000;
	v10 =	vld [tilespmem:s21+$0x4F00];
	s21 =	sshra.s32 s22, $0x2;
	v11 =	vmov v3  }
0x101: {  	v12 =	vld [tilespmem:s21+$0x4E20];
	v8 =	vadd.f32 v9, v8  }
0x102: {  	v13 =	vld [tilespmem:s21+$0x4E40]  }
.Ltmp7:
0x103: {  	v3 =	vld [tilespmem:s21+$0x4E60];
	v0 =	vadd.f32 v8, v0;
	(pc) =	sbr.rel @p0 .LBB2_17-.Ltmp7, $4  }
0x104: {  	v14 =	vadd.f32 v7, v4;
	v8 =	vadd.f32 v1, v11;
	v1 =	vld [tilespmem:s21+$0x4E80]  }
0x105: {  	v9 =	vadd.f32 v5, v2;
	v2 =	vld [tilespmem:s21+$0x4EA0];
	v10 =	vadd.f32 v10, v6  }
0x106: {  	v5 =	vld [tilespmem:s21+$0x4EC0];
	v4 =	vmov v12  }
0x107: {  	s22 =	sadd.s32 $0x400, s22;
	v8 =	vadd.f32 v8, v14;
	v6 =	vld [tilespmem:s21+$0x4EE0];
	v9 =	vadd.f32 v10, v9;
	v7 =	vmov v13  }
0x108: {  	v10 =	vld [tilespmem:s21+$0x4F00];
	_ =	sdelay $0x3  }
0x109: {  	v4 =	vadd.f32 v7, v4;
	v1 =	vadd.f32 v1, v3  }
0x10a: {  	v2 =	vadd.f32 v5, v2;
	v3 =	vadd.f32 v10, v6  }
0x10b: {  	v5 =	vadd.f32 v9, v8  }
0x10c: {  	v1 =	vadd.f32 v1, v4;
	v2 =	vadd.f32 v3, v2;
	_ =	sdelay $0x1  }
0x10d: {  	v0 =	vadd.f32 v5, v0;
	v1 =	vadd.f32 v2, v1;
	_ =	sdelay $0x1  }
0x10e: {  	v0 =	vadd.f32 v1, v0;
	_ =	sdelay $0x1  }
0x10f: {  	v0 =	vmul.f32 $4.999999890e-03, v0;
	_ =	sdelay $0x1  }
0x110: {  	s22 =	simm.s32 $0x0;
	[tilespmem:s20+$0x6780] =	vst v0  }
0x111: {  	v0 =	vld [tilespmem:s22+$0x4E30]  }
0x112: {  	v2 =	vld [tilespmem:s22+$0x4E50]  }
0x113: {  	v5 =	vld [tilespmem:s22+$0x4E70]  }
0x114: {  	v6 =	vld [tilespmem:s22+$0x4E90]  }
0x115: {  	v8 =	vld [tilespmem:s22+$0x4EB0]  }
0x116: {  	v9 =	vld [tilespmem:s22+$0x4ED0]  }
0x117: {  	v10 =	vld [tilespmem:s22+$0x4EF0]  }
0x118: {  	s21 =	simm.s32 $0x100;
	v11 =	vld [tilespmem:s22+$0x4F10]  }
0x119: {  	v4 =	vld [tilespmem:s21+$0x4E30]  }
0x11a: {  	v7 =	vld [tilespmem:s21+$0x4E50]  }
0x11b: {  	v3 =	vld [tilespmem:s21+$0x4E70]  }
0x11c: {  	v1 =	vld [tilespmem:s21+$0x4E90];
	v12 =	vadd.f32 v2, v0;
	v13 =	vadd.f32 v6, v5  }
0x11d: {  	v2 =	vld [tilespmem:s21+$0x4EB0];
	v9 =	vadd.f32 v9, v8;
	v10 =	vadd.f32 v11, v10  }
0x11e: {  	v5 =	vld [tilespmem:s21+$0x4ED0]  }
0x11f: {  	s22 =	simm.s32 $0x800;
	v0 =	vimm.f32 $0.0e+00;
	v6 =	vld [tilespmem:s21+$0x4EF0];
	v8 =	vadd.f32 v13, v12;
	v9 =	vadd.f32 v10, v9  }
.LBB2_19:
0x120: {  	p0 =	sne.s32 s22, $0x6000;
	v10 =	vld [tilespmem:s21+$0x4F10];
	s21 =	sshra.s32 s22, $0x2;
	v11 =	vmov v3  }
0x121: {  	v12 =	vld [tilespmem:s21+$0x4E30];
	v8 =	vadd.f32 v9, v8  }
0x122: {  	v13 =	vld [tilespmem:s21+$0x4E50]  }
.Ltmp8:
0x123: {  	v3 =	vld [tilespmem:s21+$0x4E70];
	v0 =	vadd.f32 v8, v0;
	(pc) =	sbr.rel @p0 .LBB2_19-.Ltmp8, $4  }
0x124: {  	v14 =	vadd.f32 v7, v4;
	v8 =	vadd.f32 v1, v11;
	v1 =	vld [tilespmem:s21+$0x4E90]  }
0x125: {  	v9 =	vadd.f32 v5, v2;
	v2 =	vld [tilespmem:s21+$0x4EB0];
	v10 =	vadd.f32 v10, v6  }
0x126: {  	v5 =	vld [tilespmem:s21+$0x4ED0];
	v4 =	vmov v12  }
0x127: {  	s22 =	sadd.s32 $0x400, s22;
	v8 =	vadd.f32 v8, v14;
	v6 =	vld [tilespmem:s21+$0x4EF0];
	v9 =	vadd.f32 v10, v9;
	v7 =	vmov v13  }
0x128: {  	v10 =	vld [tilespmem:s21+$0x4F10];
	_ =	sdelay $0x3  }
0x129: {  	v4 =	vadd.f32 v7, v4;
	v1 =	vadd.f32 v1, v3  }
0x12a: {  	v2 =	vadd.f32 v5, v2;
	v62 =	vadd.f32 v10, v6  }
0x12b: {  	v63 =	vadd.f32 v9, v8  }
0x12c: {  	v1 =	vadd.f32 v1, v4;
	v2 =	vadd.f32 v62, v2;
	_ =	sdelay $0x1  }
0x12d: {  	s19 =	sadd.s32 $0x1, s19;
	v0 =	vadd.f32 v63, v0;
	v1 =	vadd.f32 v2, v1  }
0x12e: {  	p0 =	sne.s32 s19, $0x80  }
.Ltmp9:
0x12f: {  	v0 =	vadd.f32 v1, v0;
	(pc) =	sbr.rel @p0 .LBB2_2-.Ltmp9, $3  }
0x130: {  	_ = 	snop  }
0x131: {  	v0 =	vmul.f32 $4.999999890e-03, v0;
	_ =	sdelay $0x1  }
0x132: {  	[tilespmem:s20+$0x6790] =	vst v0  }
0x133: {  	s18 =	sadd.s32 $0x1, s18  }
0x134: {  	p0 =	sne.s32 s18, s7  }
.Ltmp10:
0x135: {  	_ = 	snop;
	(pc) =	sbr.rel @p0 .LBB2_1-.Ltmp10, $4  }
0x136: {  	[hbm4b:s6+s2] =	stream.linear.scatter [tilespmem:s17], [sflag:$0x2], $0x4000, $0x38;
	[tilespmem:$0xA720] =	vst v63  }
0x137: {  	_ =	swait.ge [sflag:s8], $0x4000  }
0x138: {  	[sflag:s8] =	ssyncset.done $0x0  }
0x139: {  	[sflag:s8] =	ssyncadd.s32 $0xFFFFC000  }
0x13a: {  	_ =	sfence.sel $0x180000  }
0x13b: {  	[bflag:$0x0] =	sbarrier.arrive $0xFFFF  }
0x13c: {  	p0 =	sne.s32 s1, $0x0;
	_ =	strace $0x90000047  }
0x13d: {  	s0 =	sadd.s32 @!p0 $0x100000, s0;
	[bflag:$0x2] =	sbarrier.arrive $0xFFFF  }
0x13e: {  	[sflag:s0] =	ssyncadd.tile.s32 @!p0 $0x1;
	_ =	shalt  }
.Lfunc_end2:
_tile_overlayer_lowered:
.L_overlay_start_2:
0x13f: {  	(tag) =	ssettag $0x2  }
0x140: {  	s0 =	rddreg [dreg:$0x0];
	s2 =	stileid.u32  }
0x141: {  	s1 =	rddreg [dreg:$0x1];
	p0 =	sne.s32 s2, $0x0  }
0x142: {  	s3 =	rddreg [dreg:$0x2];
	[bflag:$0x3] =	sbarrier.arrive $0xFFFF;
	s2 =	simm.s32 @!p0 $0x1C02  }
0x143: {  	[timem:s3], [sflag:s2] =	dma.local @!p0 [hbm:s0], s1  }
0x144: {  	s0 =	simm.s32 @!p0 $0x2  }
0x145: {  	_ =	swait.ge @!p0 [sflag:s0], s1  }
0x146: {  	s1 =	ssub.s32 @!p0 $0x0, s1;
	[sflag:s0] =	ssyncset.done @!p0 $0x0  }
0x147: {  	[sflag:s0] =	ssyncadd.s32 @!p0 s1  }
0x148: {  	[bflag:$0x3] =	sbarrier.arrive $0xFFFF  }
0x149: {  	_ =	shalt  }

</sc_bundles>
